<compile_context>
chip_gen: v7x
topology: tpu7x:2x2x1
jax: 0.10.2.dev20260603
libtpu: 0.0.44.dev20260713+nightly
codegen_flags: <defaults>
</compile_context>

<pallas_src>
import functools

import jax
import jax.numpy as jnp
from jax import lax
from jax.experimental import pallas as pl
from jax.experimental.pallas import tpu as pltpu
from jax.experimental.pallas import tpu_sc as plsc

NC = 2
NS = 16
NW = NC * NS
SB = 512
SB_BITS = 9
LANES = 16
ROWSLOTS = 32


def _splat(x):
    return jnp.full((LANES,), x, jnp.int32)


def _iota():
    return jnp.arange(LANES, dtype=jnp.int32)


def _gather_body(tab_hbm, idx_hbm, out_hbm, idx_all, matched, cur, tlist,
                 blocks, tailblk, rowslots, sems, rowsem, *, B, V, D):
    tail0 = (V // 128) * 128
    n_units = tail0 // SB
    wid = lax.axis_index("s") * NC + lax.axis_index("c")
    u_lo = (wid * n_units) // NW
    u_hi = ((wid + 1) * n_units) // NW
    c0 = u_lo * SB
    n_sb = u_hi - u_lo
    span = n_sb * SB

    pltpu.sync_copy(idx_hbm, idx_all)
    tailcopy = pltpu.async_copy(tab_hbm.at[:, pl.ds(tail0, V - tail0)],
                                tailblk, rowsem)

    def fire(sb, slot):
        pltpu.async_copy(tab_hbm.at[:, pl.ds(c0 + sb * SB, SB)],
                         blocks.at[slot], sems.at[slot])

    @pl.when(n_sb > 0)
    def _():
        fire(0, 0)

    @pl.when(n_sb > 1)
    def _():
        fire(1, 1)

    def scan_body(v, carry):
        mcnt, tcnt = carry
        x = idx_all[pl.ds(v * LANES, LANES)]
        pos = _iota() + (v * LANES)
        xl = x - c0
        mmask = jnp.logical_and(xl >= 0, xl < span)
        e = jnp.bitwise_or(lax.shift_left(xl, 14), pos)
        plsc.store_compressed(matched.at[pl.ds(mcnt, LANES)], e, mask=mmask)
        mc = plsc.all_reduce_population_count(mmask)[0]
        tmask = jnp.logical_and(x >= tail0,
                                jnp.bitwise_and(pos, NW - 1) == wid)
        e2 = jnp.bitwise_or(lax.shift_left(x - tail0, 14), pos)
        plsc.store_compressed(tlist.at[pl.ds(tcnt, LANES)], e2, mask=tmask)
        tc = plsc.all_reduce_population_count(tmask)[0]
        return mcnt + mc, tcnt + tc

    m, tcnt = lax.fori_loop(0, B // LANES, scan_body, (0, 0), unroll=4)

    def emit_row(e, blk_idx_fn, nout):
        off = jnp.bitwise_and(lax.shift_right_logical(e, 14), 0x7FFF)
        p = jnp.bitwise_and(e, 0x3FFF)
        slot = lax.rem(nout, ROWSLOTS)

        @pl.when(nout >= ROWSLOTS)
        def _():
            pltpu.make_async_copy(out_hbm.at[pl.ds(0, 1)],
                                  rowslots.at[pl.ds(0, 1)], rowsem).wait()

        for g in range(D // LANES):
            ref, idxs = blk_idx_fn(_iota() + g * LANES, _splat(off))
            x = plsc.load_gather(ref, idxs)
            rowslots[slot, 0, pl.ds(g * LANES, LANES)] = x
        pltpu.async_copy(rowslots.at[slot], out_hbm.at[pl.ds(p, 1)], rowsem)
        return nout + 1

    tailcopy.wait()

    def tail_body(j, nout):
        e = tlist[pl.ds(j, LANES)][0]
        return emit_row(e, lambda sub, offv: (tailblk, [sub, offv]), nout)

    nout = lax.fori_loop(0, tcnt, tail_body, 0)

    def sb_body(sb, nout):
        slot = lax.rem(sb, 2)

        def rescan(u, c):
            e = matched[pl.ds(u * LANES, LANES)]
            valid = (_iota() + u * LANES) < m
            sel = jnp.logical_and(
                lax.shift_right_logical(e, 14 + SB_BITS) == sb, valid)
            plsc.store_compressed(cur.at[pl.ds(c, LANES)], e, mask=sel)
            return c + plsc.all_reduce_population_count(sel)[0]

        c = lax.fori_loop(0, (m + LANES - 1) // LANES, rescan, 0)

        pltpu.make_async_copy(tab_hbm.at[:, pl.ds(0, SB)],
                              blocks.at[slot], sems.at[slot]).wait()

        def ex_body(j, nout):
            e = cur[pl.ds(j, LANES)][0]
            eo = jnp.bitwise_and(e, (1 << (14 + SB_BITS)) - 1)
            return emit_row(
                eo,
                lambda sub, offv: (blocks, [_splat(slot), sub, offv]),
                nout)

        nout = lax.fori_loop(0, c, ex_body, nout)

        @pl.when(sb + 2 < n_sb)
        def _():
            fire(sb + 2, slot)

        return nout

    nout = lax.fori_loop(0, n_sb, sb_body, nout)

    def drain_body(_, carry):
        pltpu.make_async_copy(out_hbm.at[pl.ds(0, 1)],
                              rowslots.at[pl.ds(0, 1)], rowsem).wait()
        return carry

    lax.fori_loop(0, jnp.minimum(nout, ROWSLOTS), drain_body, 0)


def kernel(idx, data):
    (B,) = idx.shape
    V, D = data.shape
    idx1 = idx.astype(jnp.int32)
    tail_w = V - (V // 128) * 128

    mesh = plsc.VectorSubcoreMesh(core_axis_name="c", subcore_axis_name="s")
    k = functools.partial(
        pl.kernel,
        mesh=mesh,
        out_type=jax.ShapeDtypeStruct((B, D), jnp.float32),
        scratch_types=[
            pltpu.VMEM((B,), jnp.int32),
            pltpu.VMEM((B + LANES,), jnp.int32),
            pltpu.VMEM((B + LANES,), jnp.int32),
            pltpu.VMEM((B // NW + LANES,), jnp.int32),
            pltpu.VMEM((2, D, SB), jnp.float32),
            pltpu.VMEM((D, tail_w), jnp.float32),
            pltpu.VMEM((ROWSLOTS, 1, D), jnp.float32),
            pltpu.SemaphoreType.DMA((2,)),
            pltpu.SemaphoreType.DMA,
        ],
        compiler_params=pltpu.CompilerParams(needs_layout_passes=False),
    )(functools.partial(_gather_body, B=B, V=V, D=D))
    return k(data.T, idx1)

# --- scband reference (transcript-rebuilt; emitter-appended) ---
"""Pipeline reference for scband-latent-vector-65420941852781 (READ-ONLY COPY).

The authoritative reference and input builder live on the scoring server;
editing this copy changes nothing except your own understanding.
"""

import jax, jax.numpy as jnp
import numpy as np

DATASET_SIZE = 1000000
VEC_SIZE = 64
BATCH = 16384

def setup_inputs(seed: int = 0) -> dict:
    key = jax.random.key(seed)
    k1, k2 = jax.random.split(key)
    idx = jax.random.randint(k1, (BATCH,), 0, DATASET_SIZE, dtype=jnp.int64 if jax.config.jax_enable_x64 else jnp.int32)
    # Learned parameter: the latent table. Original init is zeros; use small random
    # values so gradients/outputs are nontrivial but math is identical (plain gather).
    data = jax.random.normal(k2, (DATASET_SIZE, VEC_SIZE), dtype=jnp.float32) * 0.01
    return {"idx": idx, "data": data}

def reference(idx, data):
    # LatentVector.__getitem__ with a tensor of indices: self.data[idx]
    return jnp.take(data, idx, axis=0)

if __name__ == "__main__":
    import jax
    _d = setup_inputs()
    print(jax.jit(kernel)(*tuple(_d.values())))

</pallas_src>

<mosaic_0001>
#map = affine_map<(d0, d1) -> (0, 0)>
#map1 = affine_map<(d0, d1) -> (0)>
module attributes {stable_mosaic.version = 14 : i64} {
  func.func @_gather_body(%arg0: i32, %arg1: i32, %arg2: memref<64x1000000xf32, #tpu.memory_space<hbm>>, %arg3: memref<16384xi32, #tpu.memory_space<hbm>>, %arg4: memref<16384x64xf32, #tpu.memory_space<hbm>>, %arg5: memref<16384xi32, #tpu.memory_space<vmem>>, %arg6: memref<16400xi32, #tpu.memory_space<vmem>>, %arg7: memref<16400xi32, #tpu.memory_space<vmem>>, %arg8: memref<528xi32, #tpu.memory_space<vmem>>, %arg9: memref<2x64x512xf32, #tpu.memory_space<vmem>>, %arg10: memref<64x64xf32, #tpu.memory_space<vmem>>, %arg11: memref<32x1x64xf32, #tpu.memory_space<vmem>>, %arg12: memref<2x!tpu.dma_semaphore, #tpu.memory_space<semaphore_mem>>, %arg13: memref<!tpu.dma_semaphore, #tpu.memory_space<semaphore_mem>>) attributes {dimension_semantics = [#tpu.dimension_semantics<core_parallel>, #tpu.dimension_semantics<subcore_parallel>], iteration_bounds = array<i64: 2, 16>, scalar_prefetch = 0 : i64, scratch_operands = 9 : i64, tpu.core_type = #tpu.core_type<sc_vector_subcore>, window_params = [{transform_indices = #map}, {transform_indices = #map1}, {transform_indices = #map}]} {
    %mul3A = arith.constant 2 : i32
    %mul3A_0 = arith.muli %arg1, %mul3A : i32
    %add3A = arith.addi %mul3A_0, %arg0 : i32
    %mul3A_1 = arith.constant 1953 : i32
    %mul3A_2 = arith.muli %add3A, %mul3A_1 : i32
    %jit3A = arith.constant 32 : i32
    %div3A = arith.divsi %mul3A_2, %jit3A : i32
    %sign3A = arith.constant 0 : i32
    %sign3A_3 = arith.cmpi sgt, %mul3A_2, %sign3A : i32
    %sign3A_4 = arith.extui %sign3A_3 : i1 to i32
    %sign3A_5 = arith.constant 0 : i32
    %sign3A_6 = arith.cmpi slt, %mul3A_2, %sign3A_5 : i32
    %sign3A_7 = arith.extui %sign3A_6 : i1 to i32
    %sign3A_8 = arith.subi %sign3A_4, %sign3A_7 : i32
    %sign3A_9 = arith.constant 0 : i32
    %sign3A_10 = arith.cmpi sgt, %jit3A, %sign3A_9 : i32
    %sign3A_11 = arith.extui %sign3A_10 : i1 to i32
    %sign3A_12 = arith.constant 0 : i32
    %sign3A_13 = arith.cmpi slt, %jit3A, %sign3A_12 : i32
    %sign3A_14 = arith.extui %sign3A_13 : i1 to i32
    %sign3A_15 = arith.subi %sign3A_11, %sign3A_14 : i32
    %ne3A = arith.cmpi ne, %sign3A_8, %sign3A_15 : i32
    %rem3A = arith.remsi %mul3A_2, %jit3A : i32
    %ne3A_16 = arith.constant 0 : i32
    %ne3A_17 = arith.cmpi ne, %rem3A, %ne3A_16 : i32
    %and3A = arith.andi %ne3A, %ne3A_17 : i1
    %sub3A = arith.constant 1 : i32
    %sub3A_18 = arith.subi %div3A, %sub3A : i32
    %select_n3A = arith.select %and3A, %sub3A_18, %div3A : i32
    %add3A_19 = arith.constant 1 : i32
    %add3A_20 = arith.addi %add3A, %add3A_19 : i32
    %mul3A_21 = arith.constant 1953 : i32
    %mul3A_22 = arith.muli %add3A_20, %mul3A_21 : i32
    %jit3A_23 = arith.constant 32 : i32
    %div3A_24 = arith.divsi %mul3A_22, %jit3A_23 : i32
    %sign3A_25 = arith.constant 0 : i32
    %sign3A_26 = arith.cmpi sgt, %mul3A_22, %sign3A_25 : i32
    %sign3A_27 = arith.extui %sign3A_26 : i1 to i32
    %sign3A_28 = arith.constant 0 : i32
    %sign3A_29 = arith.cmpi slt, %mul3A_22, %sign3A_28 : i32
    %sign3A_30 = arith.extui %sign3A_29 : i1 to i32
    %sign3A_31 = arith.subi %sign3A_27, %sign3A_30 : i32
    %sign3A_32 = arith.constant 0 : i32
    %sign3A_33 = arith.cmpi sgt, %jit3A_23, %sign3A_32 : i32
    %sign3A_34 = arith.extui %sign3A_33 : i1 to i32
    %sign3A_35 = arith.constant 0 : i32
    %sign3A_36 = arith.cmpi slt, %jit3A_23, %sign3A_35 : i32
    %sign3A_37 = arith.extui %sign3A_36 : i1 to i32
    %sign3A_38 = arith.subi %sign3A_34, %sign3A_37 : i32
    %ne3A_39 = arith.cmpi ne, %sign3A_31, %sign3A_38 : i32
    %rem3A_40 = arith.remsi %mul3A_22, %jit3A_23 : i32
    %ne3A_41 = arith.constant 0 : i32
    %ne3A_42 = arith.cmpi ne, %rem3A_40, %ne3A_41 : i32
    %and3A_43 = arith.andi %ne3A_39, %ne3A_42 : i1
    %sub3A_44 = arith.constant 1 : i32
    %sub3A_45 = arith.subi %div3A_24, %sub3A_44 : i32
    %select_n3A_46 = arith.select %and3A_43, %sub3A_45, %div3A_24 : i32
    %mul3A_47 = arith.constant 512 : i32
    %mul3A_48 = arith.muli %select_n3A, %mul3A_47 : i32
    %sub3A_49 = arith.subi %select_n3A_46, %select_n3A : i32
    %mul3A_50 = arith.constant 512 : i32
    %mul3A_51 = arith.muli %sub3A_49, %mul3A_50 : i32
    "tpu.region"() ({
      %run_scoped3A = tpu.sem_alloc : memref<!tpu.dma_semaphore, #tpu.memory_space<semaphore_mem>>
      tpu.enqueue_dma source(%arg3 : memref<16384xi32, #tpu.memory_space<hbm>>) target(%arg5 : memref<16384xi32, #tpu.memory_space<vmem>>) target_semaphore(%run_scoped3A : memref<!tpu.dma_semaphore, #tpu.memory_space<semaphore_mem>>)
      tpu.wait_dma2 semaphore(%run_scoped3A : memref<!tpu.dma_semaphore, #tpu.memory_space<semaphore_mem>>) src(%arg3 : memref<16384xi32, #tpu.memory_space<hbm>>) dst(%arg5 : memref<16384xi32, #tpu.memory_space<vmem>>)
      tpu.yield
    }) : () -> ()
    %dma_start3A = arith.constant 0 : i32
    %dma_start3A_52 = arith.constant 999936 : i32
    %dma_start3A_53 = tpu.memref_slice %arg2[%dma_start3A, %dma_start3A_52] : memref<64x1000000xf32, #tpu.memory_space<hbm>> -> memref<64x64xf32, #tpu.memory_space<hbm>>
    %dma_start3A_54 = arith.constant 0 : i32
    %dma_start3A_55 = arith.constant 999936 : i32
    %dma_start3A_56 = tpu.memref_slice %arg2[%dma_start3A_54, %dma_start3A_55] : memref<64x1000000xf32, #tpu.memory_space<hbm>> -> memref<64x64xf32, #tpu.memory_space<hbm>>
    tpu.enqueue_dma source(%dma_start3A_56 : memref<64x64xf32, #tpu.memory_space<hbm>>) target(%arg10 : memref<64x64xf32, #tpu.memory_space<vmem>>) target_semaphore(%arg13 : memref<!tpu.dma_semaphore, #tpu.memory_space<semaphore_mem>>)
    %gt3A = arith.constant 0 : i32
    %gt3A_57 = arith.cmpi sgt, %sub3A_49, %gt3A : i32
    %convert_element_type3A = arith.extui %gt3A_57 : i1 to i32
    %cond3A = arith.constant 0 : i32
    %cond3A_58 = arith.cmpi ne, %convert_element_type3A, %cond3A : i32
    scf.if %cond3A_58 {
      %add3A_109 = arith.constant 0 : i32
      %add3A_110 = arith.addi %mul3A_48, %add3A_109 : i32
      %dma_start3A_111 = arith.constant 0 : i32
      %dma_start3A_112 = arith.constant 0 : i32
      %dma_start3A_113 = arith.constant 0 : i32
      %dma_start3A_114 = arith.constant 0 : i32
      %dma_start3A_115 = tpu.memref_slice %arg9[%dma_start3A_111, %dma_start3A_113, %dma_start3A_114] : memref<2x64x512xf32, #tpu.memory_space<vmem>> -> memref<1x64x512xf32, #tpu.memory_space<vmem>>
      %dma_start3A_116 = tpu.memref_squeeze %dma_start3A_115 : memref<1x64x512xf32, #tpu.memory_space<vmem>> -> memref<64x512xf32, #tpu.memory_space<vmem>>
      %dma_start3A_117 = arith.constant 0 : i32
      %dma_start3A_118 = tpu.memref_slice %arg2[%dma_start3A_117, %add3A_110] : memref<64x1000000xf32, #tpu.memory_space<hbm>> -> memref<64x512xf32, #tpu.memory_space<hbm>>
      %dma_start3A_119 = tpu.memref_slice %arg12[%dma_start3A_112] : memref<2x!tpu.dma_semaphore, #tpu.memory_space<semaphore_mem>> -> memref<1x!tpu.dma_semaphore, #tpu.memory_space<semaphore_mem>>
      %dma_start3A_120 = tpu.memref_squeeze %dma_start3A_119 : memref<1x!tpu.dma_semaphore, #tpu.memory_space<semaphore_mem>> -> memref<!tpu.dma_semaphore, #tpu.memory_space<semaphore_mem>>
      %dma_start3A_121 = arith.constant 0 : i32
      %dma_start3A_122 = arith.constant 0 : i32
      %dma_start3A_123 = tpu.memref_slice %arg9[%dma_start3A_111, %dma_start3A_121, %dma_start3A_122] : memref<2x64x512xf32, #tpu.memory_space<vmem>> -> memref<1x64x512xf32, #tpu.memory_space<vmem>>
      %dma_start3A_124 = tpu.memref_squeeze %dma_start3A_123 : memref<1x64x512xf32, #tpu.memory_space<vmem>> -> memref<64x512xf32, #tpu.memory_space<vmem>>
      %dma_start3A_125 = arith.constant 0 : i32
      %dma_start3A_126 = tpu.memref_slice %arg2[%dma_start3A_125, %add3A_110] : memref<64x1000000xf32, #tpu.memory_space<hbm>> -> memref<64x512xf32, #tpu.memory_space<hbm>>
      tpu.enqueue_dma source(%dma_start3A_126 : memref<64x512xf32, #tpu.memory_space<hbm>>) target(%dma_start3A_124 : memref<64x512xf32, #tpu.memory_space<vmem>>) target_semaphore(%dma_start3A_120 : memref<!tpu.dma_semaphore, #tpu.memory_space<semaphore_mem>>)
    } else {
    }
    %gt3A_59 = arith.constant 1 : i32
    %gt3A_60 = arith.cmpi sgt, %sub3A_49, %gt3A_59 : i32
    %convert_element_type3A_61 = arith.extui %gt3A_60 : i1 to i32
    %cond3A_62 = arith.constant 0 : i32
    %cond3A_63 = arith.cmpi ne, %convert_element_type3A_61, %cond3A_62 : i32
    scf.if %cond3A_63 {
      %add3A_109 = arith.constant 512 : i32
      %add3A_110 = arith.addi %mul3A_48, %add3A_109 : i32
      %dma_start3A_111 = arith.constant 1 : i32
      %dma_start3A_112 = arith.constant 1 : i32
      %dma_start3A_113 = arith.constant 0 : i32
      %dma_start3A_114 = arith.constant 0 : i32
      %dma_start3A_115 = tpu.memref_slice %arg9[%dma_start3A_111, %dma_start3A_113, %dma_start3A_114] : memref<2x64x512xf32, #tpu.memory_space<vmem>> -> memref<1x64x512xf32, #tpu.memory_space<vmem>>
      %dma_start3A_116 = tpu.memref_squeeze %dma_start3A_115 : memref<1x64x512xf32, #tpu.memory_space<vmem>> -> memref<64x512xf32, #tpu.memory_space<vmem>>
      %dma_start3A_117 = arith.constant 0 : i32
      %dma_start3A_118 = tpu.memref_slice %arg2[%dma_start3A_117, %add3A_110] : memref<64x1000000xf32, #tpu.memory_space<hbm>> -> memref<64x512xf32, #tpu.memory_space<hbm>>
      %dma_start3A_119 = tpu.memref_slice %arg12[%dma_start3A_112] : memref<2x!tpu.dma_semaphore, #tpu.memory_space<semaphore_mem>> -> memref<1x!tpu.dma_semaphore, #tpu.memory_space<semaphore_mem>>
      %dma_start3A_120 = tpu.memref_squeeze %dma_start3A_119 : memref<1x!tpu.dma_semaphore, #tpu.memory_space<semaphore_mem>> -> memref<!tpu.dma_semaphore, #tpu.memory_space<semaphore_mem>>
      %dma_start3A_121 = arith.constant 0 : i32
      %dma_start3A_122 = arith.constant 0 : i32
      %dma_start3A_123 = tpu.memref_slice %arg9[%dma_start3A_111, %dma_start3A_121, %dma_start3A_122] : memref<2x64x512xf32, #tpu.memory_space<vmem>> -> memref<1x64x512xf32, #tpu.memory_space<vmem>>
      %dma_start3A_124 = tpu.memref_squeeze %dma_start3A_123 : memref<1x64x512xf32, #tpu.memory_space<vmem>> -> memref<64x512xf32, #tpu.memory_space<vmem>>
      %dma_start3A_125 = arith.constant 0 : i32
      %dma_start3A_126 = tpu.memref_slice %arg2[%dma_start3A_125, %add3A_110] : memref<64x1000000xf32, #tpu.memory_space<hbm>> -> memref<64x512xf32, #tpu.memory_space<hbm>>
      tpu.enqueue_dma source(%dma_start3A_126 : memref<64x512xf32, #tpu.memory_space<hbm>>) target(%dma_start3A_124 : memref<64x512xf32, #tpu.memory_space<vmem>>) target_semaphore(%dma_start3A_120 : memref<!tpu.dma_semaphore, #tpu.memory_space<semaphore_mem>>)
    } else {
    }
    %scan3A = arith.constant 0 : i32
    %scan3A_64 = arith.constant 0 : i32
    %scan3A_65 = arith.constant 0 : i32
    %scan3A_66 = arith.constant 1024 : i32
    %scan3A_67 = arith.addi %scan3A_65, %scan3A_66 : i32
    %scan3A_68 = arith.constant 4 : i32
    %scan3A_69:2 = scf.for %scan3A_109 = %scan3A_65 to %scan3A_67 step %scan3A_68 iter_args(%scan3A_110 = %scan3A, %scan3A_111 = %scan3A_64) -> (i32, i32)  : i32 {
      %mul3A_112 = arith.constant 16 : i32
      %mul3A_113 = arith.muli %scan3A_109, %mul3A_112 : i32
      %get3A = arith.index_cast %mul3A_113 : i32 to index
      %get3A_114 = tpu.vector_load %arg5[%get3A] {strides = array<i32>} : memref<16384xi32, #tpu.memory_space<vmem>>, vector<16xi32>,
      %iota3A = tpu.iota {dimensions = array<i32: 0>} : vector<16xi32>
      %mul3A_115 = arith.constant 16 : i32
      %mul3A_116 = arith.muli %scan3A_109, %mul3A_115 : i32
      %add3A_117 = vector.broadcast %mul3A_116 : i32 to vector<16xi32>
      %add3A_118 = arith.addi %iota3A, %add3A_117 : vector<16xi32>
      %sub3A_119 = vector.broadcast %mul3A_48 : i32 to vector<16xi32>
      %sub3A_120 = arith.subi %get3A_114, %sub3A_119 : vector<16xi32>
      %ge3A = arith.constant 0 : i32
      %ge3A_121 = vector.broadcast %ge3A : i32 to vector<16xi32>
      %ge3A_122 = arith.cmpi sge, %sub3A_120, %ge3A_121 : vector<16xi32>
      %lt3A = vector.broadcast %mul3A_51 : i32 to vector<16xi32>
      %lt3A_123 = arith.cmpi slt, %sub3A_120, %lt3A : vector<16xi32>
      %and3A_124 = arith.andi %ge3A_122, %lt3A_123 : vector<16xi1>
      %shift_left3A = arith.constant 14 : i32
      %shift_left3A_125 = vector.broadcast %shift_left3A : i32 to vector<16xi32>
      %shift_left3A_126 = arith.shli %sub3A_120, %shift_left3A_125 : vector<16xi32>
      %or3A = arith.ori %shift_left3A_126, %add3A_118 : vector<16xi32>
      %swap3A = arith.index_cast %scan3A_110 : i32 to index
      %swap3A_127 = tpu.vector_load %arg6[%swap3A] masked %and3A_124 {strides = array<i32>} : memref<16400xi32, #tpu.memory_space<vmem>>, vector<16xi32>, vector<16xi1>
      tpu.vector_store %arg6[%swap3A], %or3A masked %and3A_124 {strides = array<i32>} : memref<16400xi32, #tpu.memory_space<vmem>>, vector<16xi32>, vector<16xi1>
      %all_reduce_population_count3A = tpu.all_reduce %and3A_124 {dim = 0 : i64, kind = #tpu.reduction_kind<sum>} : vector<16xi1> -> vector<16xi32>
      %slice3A = vector.extract_strided_slice %all_reduce_population_count3A {offsets = [0], sizes = [1], strides = [1]} : vector<16xi32> to vector<1xi32>
      %squeeze3A = vector.extract %slice3A[0] : i32 from vector<1xi32>
      %ge3A_128 = arith.constant 999936 : i32
      %ge3A_129 = vector.broadcast %ge3A_128 : i32 to vector<16xi32>
      %ge3A_130 = arith.cmpi sge, %get3A_114, %ge3A_129 : vector<16xi32>
      %and3A_131 = arith.constant 31 : i32
      %and3A_132 = vector.broadcast %and3A_131 : i32 to vector<16xi32>
      %and3A_133 = arith.andi %add3A_118, %and3A_132 : vector<16xi32>
      %eq3A = vector.broadcast %add3A : i32 to vector<16xi32>
      %eq3A_134 = arith.cmpi eq, %and3A_133, %eq3A : vector<16xi32>
      %and3A_135 = arith.andi %ge3A_130, %eq3A_134 : vector<16xi1>
      %sub3A_136 = arith.constant 999936 : i32
      %sub3A_137 = vector.broadcast %sub3A_136 : i32 to vector<16xi32>
      %sub3A_138 = arith.subi %get3A_114, %sub3A_137 : vector<16xi32>
      %shift_left3A_139 = arith.constant 14 : i32
      %shift_left3A_140 = vector.broadcast %shift_left3A_139 : i32 to vector<16xi32>
      %shift_left3A_141 = arith.shli %sub3A_138, %shift_left3A_140 : vector<16xi32>
      %or3A_142 = arith.ori %shift_left3A_141, %add3A_118 : vector<16xi32>
      %swap3A_143 = arith.index_cast %scan3A_111 : i32 to index
      %swap3A_144 = tpu.vector_load %arg8[%swap3A_143] masked %and3A_135 {strides = array<i32>} : memref<528xi32, #tpu.memory_space<vmem>>, vector<16xi32>, vector<16xi1>
      tpu.vector_store %arg8[%swap3A_143], %or3A_142 masked %and3A_135 {strides = array<i32>} : memref<528xi32, #tpu.memory_space<vmem>>, vector<16xi32>, vector<16xi1>
      %all_reduce_population_count3A_145 = tpu.all_reduce %and3A_135 {dim = 0 : i64, kind = #tpu.reduction_kind<sum>} : vector<16xi1> -> vector<16xi32>
      %slice3A_146 = vector.extract_strided_slice %all_reduce_population_count3A_145 {offsets = [0], sizes = [1], strides = [1]} : vector<16xi32> to vector<1xi32>
      %squeeze3A_147 = vector.extract %slice3A_146[0] : i32 from vector<1xi32>
      %add3A_148 = arith.addi %scan3A_110, %squeeze3A : i32
      %add3A_149 = arith.addi %scan3A_111, %squeeze3A_147 : i32
      %scan3A_150 = arith.constant 1 : i32
      %scan3A_151 = arith.addi %scan3A_109, %scan3A_150 : i32
      %mul3A_152 = arith.constant 16 : i32
      %mul3A_153 = arith.muli %scan3A_151, %mul3A_152 : i32
      %get3A_154 = arith.index_cast %mul3A_153 : i32 to index
      %get3A_155 = tpu.vector_load %arg5[%get3A_154] {strides = array<i32>} : memref<16384xi32, #tpu.memory_space<vmem>>, vector<16xi32>,
      %iota3A_156 = tpu.iota {dimensions = array<i32: 0>} : vector<16xi32>
      %mul3A_157 = arith.constant 16 : i32
      %mul3A_158 = arith.muli %scan3A_151, %mul3A_157 : i32
      %add3A_159 = vector.broadcast %mul3A_158 : i32 to vector<16xi32>
      %add3A_160 = arith.addi %iota3A_156, %add3A_159 : vector<16xi32>
      %sub3A_161 = vector.broadcast %mul3A_48 : i32 to vector<16xi32>
      %sub3A_162 = arith.subi %get3A_155, %sub3A_161 : vector<16xi32>
      %ge3A_163 = arith.constant 0 : i32
      %ge3A_164 = vector.broadcast %ge3A_163 : i32 to vector<16xi32>
      %ge3A_165 = arith.cmpi sge, %sub3A_162, %ge3A_164 : vector<16xi32>
      %lt3A_166 = vector.broadcast %mul3A_51 : i32 to vector<16xi32>
      %lt3A_167 = arith.cmpi slt, %sub3A_162, %lt3A_166 : vector<16xi32>
      %and3A_168 = arith.andi %ge3A_165, %lt3A_167 : vector<16xi1>
      %shift_left3A_169 = arith.constant 14 : i32
      %shift_left3A_170 = vector.broadcast %shift_left3A_169 : i32 to vector<16xi32>
      %shift_left3A_171 = arith.shli %sub3A_162, %shift_left3A_170 : vector<16xi32>
      %or3A_172 = arith.ori %shift_left3A_171, %add3A_160 : vector<16xi32>
      %swap3A_173 = arith.index_cast %add3A_148 : i32 to index
      %swap3A_174 = tpu.vector_load %arg6[%swap3A_173] masked %and3A_168 {strides = array<i32>} : memref<16400xi32, #tpu.memory_space<vmem>>, vector<16xi32>, vector<16xi1>
      tpu.vector_store %arg6[%swap3A_173], %or3A_172 masked %and3A_168 {strides = array<i32>} : memref<16400xi32, #tpu.memory_space<vmem>>, vector<16xi32>, vector<16xi1>
      %all_reduce_population_count3A_175 = tpu.all_reduce %and3A_168 {dim = 0 : i64, kind = #tpu.reduction_kind<sum>} : vector<16xi1> -> vector<16xi32>
      %slice3A_176 = vector.extract_strided_slice %all_reduce_population_count3A_175 {offsets = [0], sizes = [1], strides = [1]} : vector<16xi32> to vector<1xi32>
      %squeeze3A_177 = vector.extract %slice3A_176[0] : i32 from vector<1xi32>
      %ge3A_178 = arith.constant 999936 : i32
      %ge3A_179 = vector.broadcast %ge3A_178 : i32 to vector<16xi32>
      %ge3A_180 = arith.cmpi sge, %get3A_155, %ge3A_179 : vector<16xi32>
      %and3A_181 = arith.constant 31 : i32
      %and3A_182 = vector.broadcast %and3A_181 : i32 to vector<16xi32>
      %and3A_183 = arith.andi %add3A_160, %and3A_182 : vector<16xi32>
      %eq3A_184 = vector.broadcast %add3A : i32 to vector<16xi32>
      %eq3A_185 = arith.cmpi eq, %and3A_183, %eq3A_184 : vector<16xi32>
      %and3A_186 = arith.andi %ge3A_180, %eq3A_185 : vector<16xi1>
      %sub3A_187 = arith.constant 999936 : i32
      %sub3A_188 = vector.broadcast %sub3A_187 : i32 to vector<16xi32>
      %sub3A_189 = arith.subi %get3A_155, %sub3A_188 : vector<16xi32>
      %shift_left3A_190 = arith.constant 14 : i32
      %shift_left3A_191 = vector.broadcast %shift_left3A_190 : i32 to vector<16xi32>
      %shift_left3A_192 = arith.shli %sub3A_189, %shift_left3A_191 : vector<16xi32>
      %or3A_193 = arith.ori %shift_left3A_192, %add3A_160 : vector<16xi32>
      %swap3A_194 = arith.index_cast %add3A_149 : i32 to index
      %swap3A_195 = tpu.vector_load %arg8[%swap3A_194] masked %and3A_186 {strides = array<i32>} : memref<528xi32, #tpu.memory_space<vmem>>, vector<16xi32>, vector<16xi1>
      tpu.vector_store %arg8[%swap3A_194], %or3A_193 masked %and3A_186 {strides = array<i32>} : memref<528xi32, #tpu.memory_space<vmem>>, vector<16xi32>, vector<16xi1>
      %all_reduce_population_count3A_196 = tpu.all_reduce %and3A_186 {dim = 0 : i64, kind = #tpu.reduction_kind<sum>} : vector<16xi1> -> vector<16xi32>
      %slice3A_197 = vector.extract_strided_slice %all_reduce_population_count3A_196 {offsets = [0], sizes = [1], strides = [1]} : vector<16xi32> to vector<1xi32>
      %squeeze3A_198 = vector.extract %slice3A_197[0] : i32 from vector<1xi32>
      %add3A_199 = arith.addi %add3A_148, %squeeze3A_177 : i32
      %add3A_200 = arith.addi %add3A_149, %squeeze3A_198 : i32
      %scan3A_201 = arith.constant 2 : i32
      %scan3A_202 = arith.addi %scan3A_109, %scan3A_201 : i32
      %mul3A_203 = arith.constant 16 : i32
      %mul3A_204 = arith.muli %scan3A_202, %mul3A_203 : i32
      %get3A_205 = arith.index_cast %mul3A_204 : i32 to index
      %get3A_206 = tpu.vector_load %arg5[%get3A_205] {strides = array<i32>} : memref<16384xi32, #tpu.memory_space<vmem>>, vector<16xi32>,
      %iota3A_207 = tpu.iota {dimensions = array<i32: 0>} : vector<16xi32>
      %mul3A_208 = arith.constant 16 : i32
      %mul3A_209 = arith.muli %scan3A_202, %mul3A_208 : i32
      %add3A_210 = vector.broadcast %mul3A_209 : i32 to vector<16xi32>
      %add3A_211 = arith.addi %iota3A_207, %add3A_210 : vector<16xi32>
      %sub3A_212 = vector.broadcast %mul3A_48 : i32 to vector<16xi32>
      %sub3A_213 = arith.subi %get3A_206, %sub3A_212 : vector<16xi32>
      %ge3A_214 = arith.constant 0 : i32
      %ge3A_215 = vector.broadcast %ge3A_214 : i32 to vector<16xi32>
      %ge3A_216 = arith.cmpi sge, %sub3A_213, %ge3A_215 : vector<16xi32>
      %lt3A_217 = vector.broadcast %mul3A_51 : i32 to vector<16xi32>
      %lt3A_218 = arith.cmpi slt, %sub3A_213, %lt3A_217 : vector<16xi32>
      %and3A_219 = arith.andi %ge3A_216, %lt3A_218 : vector<16xi1>
      %shift_left3A_220 = arith.constant 14 : i32
      %shift_left3A_221 = vector.broadcast %shift_left3A_220 : i32 to vector<16xi32>
      %shift_left3A_222 = arith.shli %sub3A_213, %shift_left3A_221 : vector<16xi32>
      %or3A_223 = arith.ori %shift_left3A_222, %add3A_211 : vector<16xi32>
      %swap3A_224 = arith.index_cast %add3A_199 : i32 to index
      %swap3A_225 = tpu.vector_load %arg6[%swap3A_224] masked %and3A_219 {strides = array<i32>} : memref<16400xi32, #tpu.memory_space<vmem>>, vector<16xi32>, vector<16xi1>
      tpu.vector_store %arg6[%swap3A_224], %or3A_223 masked %and3A_219 {strides = array<i32>} : memref<16400xi32, #tpu.memory_space<vmem>>, vector<16xi32>, vector<16xi1>
      %all_reduce_population_count3A_226 = tpu.all_reduce %and3A_219 {dim = 0 : i64, kind = #tpu.reduction_kind<sum>} : vector<16xi1> -> vector<16xi32>
      %slice3A_227 = vector.extract_strided_slice %all_reduce_population_count3A_226 {offsets = [0], sizes = [1], strides = [1]} : vector<16xi32> to vector<1xi32>
      %squeeze3A_228 = vector.extract %slice3A_227[0] : i32 from vector<1xi32>
      %ge3A_229 = arith.constant 999936 : i32
      %ge3A_230 = vector.broadcast %ge3A_229 : i32 to vector<16xi32>
      %ge3A_231 = arith.cmpi sge, %get3A_206, %ge3A_230 : vector<16xi32>
      %and3A_232 = arith.constant 31 : i32
      %and3A_233 = vector.broadcast %and3A_232 : i32 to vector<16xi32>
      %and3A_234 = arith.andi %add3A_211, %and3A_233 : vector<16xi32>
      %eq3A_235 = vector.broadcast %add3A : i32 to vector<16xi32>
      %eq3A_236 = arith.cmpi eq, %and3A_234, %eq3A_235 : vector<16xi32>
      %and3A_237 = arith.andi %ge3A_231, %eq3A_236 : vector<16xi1>
      %sub3A_238 = arith.constant 999936 : i32
      %sub3A_239 = vector.broadcast %sub3A_238 : i32 to vector<16xi32>
      %sub3A_240 = arith.subi %get3A_206, %sub3A_239 : vector<16xi32>
      %shift_left3A_241 = arith.constant 14 : i32
      %shift_left3A_242 = vector.broadcast %shift_left3A_241 : i32 to vector<16xi32>
      %shift_left3A_243 = arith.shli %sub3A_240, %shift_left3A_242 : vector<16xi32>
      %or3A_244 = arith.ori %shift_left3A_243, %add3A_211 : vector<16xi32>
      %swap3A_245 = arith.index_cast %add3A_200 : i32 to index
      %swap3A_246 = tpu.vector_load %arg8[%swap3A_245] masked %and3A_237 {strides = array<i32>} : memref<528xi32, #tpu.memory_space<vmem>>, vector<16xi32>, vector<16xi1>
      tpu.vector_store %arg8[%swap3A_245], %or3A_244 masked %and3A_237 {strides = array<i32>} : memref<528xi32, #tpu.memory_space<vmem>>, vector<16xi32>, vector<16xi1>
      %all_reduce_population_count3A_247 = tpu.all_reduce %and3A_237 {dim = 0 : i64, kind = #tpu.reduction_kind<sum>} : vector<16xi1> -> vector<16xi32>
      %slice3A_248 = vector.extract_strided_slice %all_reduce_population_count3A_247 {offsets = [0], sizes = [1], strides = [1]} : vector<16xi32> to vector<1xi32>
      %squeeze3A_249 = vector.extract %slice3A_248[0] : i32 from vector<1xi32>
      %add3A_250 = arith.addi %add3A_199, %squeeze3A_228 : i32
      %add3A_251 = arith.addi %add3A_200, %squeeze3A_249 : i32
      %scan3A_252 = arith.constant 3 : i32
      %scan3A_253 = arith.addi %scan3A_109, %scan3A_252 : i32
      %mul3A_254 = arith.constant 16 : i32
      %mul3A_255 = arith.muli %scan3A_253, %mul3A_254 : i32
      %get3A_256 = arith.index_cast %mul3A_255 : i32 to index
      %get3A_257 = tpu.vector_load %arg5[%get3A_256] {strides = array<i32>} : memref<16384xi32, #tpu.memory_space<vmem>>, vector<16xi32>,
      %iota3A_258 = tpu.iota {dimensions = array<i32: 0>} : vector<16xi32>
      %mul3A_259 = arith.constant 16 : i32
      %mul3A_260 = arith.muli %scan3A_253, %mul3A_259 : i32
      %add3A_261 = vector.broadcast %mul3A_260 : i32 to vector<16xi32>
      %add3A_262 = arith.addi %iota3A_258, %add3A_261 : vector<16xi32>
      %sub3A_263 = vector.broadcast %mul3A_48 : i32 to vector<16xi32>
      %sub3A_264 = arith.subi %get3A_257, %sub3A_263 : vector<16xi32>
      %ge3A_265 = arith.constant 0 : i32
      %ge3A_266 = vector.broadcast %ge3A_265 : i32 to vector<16xi32>
      %ge3A_267 = arith.cmpi sge, %sub3A_264, %ge3A_266 : vector<16xi32>
      %lt3A_268 = vector.broadcast %mul3A_51 : i32 to vector<16xi32>
      %lt3A_269 = arith.cmpi slt, %sub3A_264, %lt3A_268 : vector<16xi32>
      %and3A_270 = arith.andi %ge3A_267, %lt3A_269 : vector<16xi1>
      %shift_left3A_271 = arith.constant 14 : i32
      %shift_left3A_272 = vector.broadcast %shift_left3A_271 : i32 to vector<16xi32>
      %shift_left3A_273 = arith.shli %sub3A_264, %shift_left3A_272 : vector<16xi32>
      %or3A_274 = arith.ori %shift_left3A_273, %add3A_262 : vector<16xi32>
      %swap3A_275 = arith.index_cast %add3A_250 : i32 to index
      %swap3A_276 = tpu.vector_load %arg6[%swap3A_275] masked %and3A_270 {strides = array<i32>} : memref<16400xi32, #tpu.memory_space<vmem>>, vector<16xi32>, vector<16xi1>
      tpu.vector_store %arg6[%swap3A_275], %or3A_274 masked %and3A_270 {strides = array<i32>} : memref<16400xi32, #tpu.memory_space<vmem>>, vector<16xi32>, vector<16xi1>
      %all_reduce_population_count3A_277 = tpu.all_reduce %and3A_270 {dim = 0 : i64, kind = #tpu.reduction_kind<sum>} : vector<16xi1> -> vector<16xi32>
      %slice3A_278 = vector.extract_strided_slice %all_reduce_population_count3A_277 {offsets = [0], sizes = [1], strides = [1]} : vector<16xi32> to vector<1xi32>
      %squeeze3A_279 = vector.extract %slice3A_278[0] : i32 from vector<1xi32>
      %ge3A_280 = arith.constant 999936 : i32
      %ge3A_281 = vector.broadcast %ge3A_280 : i32 to vector<16xi32>
      %ge3A_282 = arith.cmpi sge, %get3A_257, %ge3A_281 : vector<16xi32>
      %and3A_283 = arith.constant 31 : i32
      %and3A_284 = vector.broadcast %and3A_283 : i32 to vector<16xi32>
      %and3A_285 = arith.andi %add3A_262, %and3A_284 : vector<16xi32>
      %eq3A_286 = vector.broadcast %add3A : i32 to vector<16xi32>
      %eq3A_287 = arith.cmpi eq, %and3A_285, %eq3A_286 : vector<16xi32>
      %and3A_288 = arith.andi %ge3A_282, %eq3A_287 : vector<16xi1>
      %sub3A_289 = arith.constant 999936 : i32
      %sub3A_290 = vector.broadcast %sub3A_289 : i32 to vector<16xi32>
      %sub3A_291 = arith.subi %get3A_257, %sub3A_290 : vector<16xi32>
      %shift_left3A_292 = arith.constant 14 : i32
      %shift_left3A_293 = vector.broadcast %shift_left3A_292 : i32 to vector<16xi32>
      %shift_left3A_294 = arith.shli %sub3A_291, %shift_left3A_293 : vector<16xi32>
      %or3A_295 = arith.ori %shift_left3A_294, %add3A_262 : vector<16xi32>
      %swap3A_296 = arith.index_cast %add3A_251 : i32 to index
      %swap3A_297 = tpu.vector_load %arg8[%swap3A_296] masked %and3A_288 {strides = array<i32>} : memref<528xi32, #tpu.memory_space<vmem>>, vector<16xi32>, vector<16xi1>
      tpu.vector_store %arg8[%swap3A_296], %or3A_295 masked %and3A_288 {strides = array<i32>} : memref<528xi32, #tpu.memory_space<vmem>>, vector<16xi32>, vector<16xi1>
      %all_reduce_population_count3A_298 = tpu.all_reduce %and3A_288 {dim = 0 : i64, kind = #tpu.reduction_kind<sum>} : vector<16xi1> -> vector<16xi32>
      %slice3A_299 = vector.extract_strided_slice %all_reduce_population_count3A_298 {offsets = [0], sizes = [1], strides = [1]} : vector<16xi32> to vector<1xi32>
      %squeeze3A_300 = vector.extract %slice3A_299[0] : i32 from vector<1xi32>
      %add3A_301 = arith.addi %add3A_250, %squeeze3A_279 : i32
      %add3A_302 = arith.addi %add3A_251, %squeeze3A_300 : i32
      scf.yield %add3A_301, %add3A_302 : i32, i32
    }
    %scan3A_70 = arith.constant 1024 : i32
    %dma_wait3A = arith.constant 0 : i32
    %dma_wait3A_71 = arith.constant 999936 : i32
    %dma_wait3A_72 = tpu.memref_slice %arg2[%dma_wait3A, %dma_wait3A_71] : memref<64x1000000xf32, #tpu.memory_space<hbm>> -> memref<64x64xf32, #tpu.memory_space<hbm>>
    %dma_wait3A_73 = arith.constant 0 : i32
    %dma_wait3A_74 = arith.constant 999936 : i32
    %dma_wait3A_75 = tpu.memref_slice %arg2[%dma_wait3A_73, %dma_wait3A_74] : memref<64x1000000xf32, #tpu.memory_space<hbm>> -> memref<64x64xf32, #tpu.memory_space<hbm>>
    tpu.wait_dma2 semaphore(%arg13 : memref<!tpu.dma_semaphore, #tpu.memory_space<semaphore_mem>>) src(%dma_wait3A_75 : memref<64x64xf32, #tpu.memory_space<hbm>>) dst(%arg10 : memref<64x64xf32, #tpu.memory_space<vmem>>)
    %while3A = arith.constant 0 : i32
    %while3A_76 = arith.constant 0 : i32
    %while3A_77 = arith.subi %scan3A_69#1, %while3A : i32
    %while3A_78 = arith.addi %while3A, %while3A_77 : i32
    %while3A_79 = arith.constant 1 : i32
    %while3A_80 = arith.divsi %while3A_77, %while3A_79 : i32
    %while3A_81 = arith.muli %while3A_80, %while3A_79 : i32
    %while3A_82 = arith.addi %while3A, %while3A_81 : i32
    %while3A_83 = arith.constant 1 : i32
    %while3A_84 = scf.for %while3A_109 = %while3A to %while3A_82 step %while3A_83 iter_args(%while3A_110 = %while3A_76) -> (i32)  : i32 {
      %get3A = arith.index_cast %while3A_109 : i32 to index
      %get3A_111 = tpu.vector_load %arg8[%get3A] {strides = array<i32>} : memref<528xi32, #tpu.memory_space<vmem>>, vector<16xi32>,
      %slice3A = vector.extract_strided_slice %get3A_111 {offsets = [0], sizes = [1], strides = [1]} : vector<16xi32> to vector<1xi32>
      %squeeze3A = vector.extract %slice3A[0] : i32 from vector<1xi32>
      %shift_right_logical3A = arith.constant 14 : i32
      %shift_right_logical3A_112 = arith.shrui %squeeze3A, %shift_right_logical3A : i32
      %and3A_113 = arith.constant 32767 : i32
      %and3A_114 = arith.andi %shift_right_logical3A_112, %and3A_113 : i32
      %and3A_115 = arith.constant 16383 : i32
      %and3A_116 = arith.andi %squeeze3A, %and3A_115 : i32
      %rem3A_117 = arith.constant 32 : i32
      %rem3A_118 = arith.remsi %while3A_110, %rem3A_117 : i32
      %ge3A = arith.constant 32 : i32
      %ge3A_119 = arith.cmpi sge, %while3A_110, %ge3A : i32
      %convert_element_type3A_120 = arith.extui %ge3A_119 : i1 to i32
      %cond3A_121 = arith.constant 0 : i32
      %cond3A_122 = arith.cmpi ne, %convert_element_type3A_120, %cond3A_121 : i32
      scf.if %cond3A_122 {
        %dma_wait3A_177 = arith.constant 0 : i32
        %dma_wait3A_178 = arith.constant 0 : i32
        %dma_wait3A_179 = arith.constant 0 : i32
        %dma_wait3A_180 = tpu.memref_slice %arg11[%dma_wait3A_177, %dma_wait3A_178, %dma_wait3A_179] : memref<32x1x64xf32, #tpu.memory_space<vmem>> -> memref<1x1x64xf32, #tpu.memory_space<vmem>>
        %dma_wait3A_181 = arith.constant 0 : i32
        %dma_wait3A_182 = arith.constant 0 : i32
        %dma_wait3A_183 = tpu.memref_slice %arg4[%dma_wait3A_181, %dma_wait3A_182] : memref<16384x64xf32, #tpu.memory_space<hbm>> -> memref<1x64xf32, #tpu.memory_space<hbm>>
        %dma_wait3A_184 = arith.constant 0 : i32
        %dma_wait3A_185 = arith.constant 0 : i32
        %dma_wait3A_186 = arith.constant 0 : i32
        %dma_wait3A_187 = tpu.memref_slice %arg11[%dma_wait3A_184, %dma_wait3A_185, %dma_wait3A_186] : memref<32x1x64xf32, #tpu.memory_space<vmem>> -> memref<1x1x64xf32, #tpu.memory_space<vmem>>
        %dma_wait3A_188 = arith.constant 0 : i32
        %dma_wait3A_189 = arith.constant 0 : i32
        %dma_wait3A_190 = tpu.memref_slice %arg4[%dma_wait3A_188, %dma_wait3A_189] : memref<16384x64xf32, #tpu.memory_space<hbm>> -> memref<1x64xf32, #tpu.memory_space<hbm>>
        tpu.wait_dma2 semaphore(%arg13 : memref<!tpu.dma_semaphore, #tpu.memory_space<semaphore_mem>>) src(%dma_wait3A_190 : memref<1x64xf32, #tpu.memory_space<hbm>>) dst(%dma_wait3A_187 : memref<1x1x64xf32, #tpu.memory_space<vmem>>)
      } else {
      }
      %iota3A = tpu.iota {dimensions = array<i32: 0>} : vector<16xi32>
      %add3A_123 = arith.constant 0 : i32
      %add3A_124 = vector.broadcast %add3A_123 : i32 to vector<16xi32>
      %add3A_125 = arith.addi %iota3A, %add3A_124 : vector<16xi32>
      %broadcast_in_dim3A = vector.broadcast %and3A_114 : i32 to vector<16xi32>
      %gather3A = tpu.vector_load_idx %arg10[%add3A_125, %broadcast_in_dim3A] : memref<64x64xf32, #tpu.memory_space<vmem>>[vector<16xi32>, vector<16xi32>], vector<16xf32>,
      %swap3A = arith.constant 0 : i32
      %swap3A_126 = arith.index_cast %rem3A_118 : i32 to index
      %swap3A_127 = arith.index_cast %swap3A : i32 to index
      %swap3A_128 = arith.constant 0 : index
      %swap3A_129 = tpu.vector_load %arg11[%swap3A_126, %swap3A_127, %swap3A_128] {strides = array<i32>} : memref<32x1x64xf32, #tpu.memory_space<vmem>>, vector<16xf32>,
      tpu.vector_store %arg11[%swap3A_126, %swap3A_127, %swap3A_128], %gather3A {strides = array<i32>} : memref<32x1x64xf32, #tpu.memory_space<vmem>>, vector<16xf32>,
      %iota3A_130 = tpu.iota {dimensions = array<i32: 0>} : vector<16xi32>
      %add3A_131 = arith.constant 16 : i32
      %add3A_132 = vector.broadcast %add3A_131 : i32 to vector<16xi32>
      %add3A_133 = arith.addi %iota3A_130, %add3A_132 : vector<16xi32>
      %broadcast_in_dim3A_134 = vector.broadcast %and3A_114 : i32 to vector<16xi32>
      %gather3A_135 = tpu.vector_load_idx %arg10[%add3A_133, %broadcast_in_dim3A_134] : memref<64x64xf32, #tpu.memory_space<vmem>>[vector<16xi32>, vector<16xi32>], vector<16xf32>,
      %swap3A_136 = arith.constant 0 : i32
      %swap3A_137 = arith.index_cast %rem3A_118 : i32 to index
      %swap3A_138 = arith.index_cast %swap3A_136 : i32 to index
      %swap3A_139 = arith.constant 16 : index
      %swap3A_140 = tpu.vector_load %arg11[%swap3A_137, %swap3A_138, %swap3A_139] {strides = array<i32>} : memref<32x1x64xf32, #tpu.memory_space<vmem>>, vector<16xf32>,
      tpu.vector_store %arg11[%swap3A_137, %swap3A_138, %swap3A_139], %gather3A_135 {strides = array<i32>} : memref<32x1x64xf32, #tpu.memory_space<vmem>>, vector<16xf32>,
      %iota3A_141 = tpu.iota {dimensions = array<i32: 0>} : vector<16xi32>
      %add3A_142 = arith.constant 32 : i32
      %add3A_143 = vector.broadcast %add3A_142 : i32 to vector<16xi32>
      %add3A_144 = arith.addi %iota3A_141, %add3A_143 : vector<16xi32>
      %broadcast_in_dim3A_145 = vector.broadcast %and3A_114 : i32 to vector<16xi32>
      %gather3A_146 = tpu.vector_load_idx %arg10[%add3A_144, %broadcast_in_dim3A_145] : memref<64x64xf32, #tpu.memory_space<vmem>>[vector<16xi32>, vector<16xi32>], vector<16xf32>,
      %swap3A_147 = arith.constant 0 : i32
      %swap3A_148 = arith.index_cast %rem3A_118 : i32 to index
      %swap3A_149 = arith.index_cast %swap3A_147 : i32 to index
      %swap3A_150 = arith.constant 32 : index
      %swap3A_151 = tpu.vector_load %arg11[%swap3A_148, %swap3A_149, %swap3A_150] {strides = array<i32>} : memref<32x1x64xf32, #tpu.memory_space<vmem>>, vector<16xf32>,
      tpu.vector_store %arg11[%swap3A_148, %swap3A_149, %swap3A_150], %gather3A_146 {strides = array<i32>} : memref<32x1x64xf32, #tpu.memory_space<vmem>>, vector<16xf32>,
      %iota3A_152 = tpu.iota {dimensions = array<i32: 0>} : vector<16xi32>
      %add3A_153 = arith.constant 48 : i32
      %add3A_154 = vector.broadcast %add3A_153 : i32 to vector<16xi32>
      %add3A_155 = arith.addi %iota3A_152, %add3A_154 : vector<16xi32>
      %broadcast_in_dim3A_156 = vector.broadcast %and3A_114 : i32 to vector<16xi32>
      %gather3A_157 = tpu.vector_load_idx %arg10[%add3A_155, %broadcast_in_dim3A_156] : memref<64x64xf32, #tpu.memory_space<vmem>>[vector<16xi32>, vector<16xi32>], vector<16xf32>,
      %swap3A_158 = arith.constant 0 : i32
      %swap3A_159 = arith.index_cast %rem3A_118 : i32 to index
      %swap3A_160 = arith.index_cast %swap3A_158 : i32 to index
      %swap3A_161 = arith.constant 48 : index
      %swap3A_162 = tpu.vector_load %arg11[%swap3A_159, %swap3A_160, %swap3A_161] {strides = array<i32>} : memref<32x1x64xf32, #tpu.memory_space<vmem>>, vector<16xf32>,
      tpu.vector_store %arg11[%swap3A_159, %swap3A_160, %swap3A_161], %gather3A_157 {strides = array<i32>} : memref<32x1x64xf32, #tpu.memory_space<vmem>>, vector<16xf32>,
      %dma_start3A_163 = arith.constant 0 : i32
      %dma_start3A_164 = arith.constant 0 : i32
      %dma_start3A_165 = tpu.memref_slice %arg11[%rem3A_118, %dma_start3A_163, %dma_start3A_164] : memref<32x1x64xf32, #tpu.memory_space<vmem>> -> memref<1x1x64xf32, #tpu.memory_space<vmem>>
      %dma_start3A_166 = tpu.memref_squeeze %dma_start3A_165 : memref<1x1x64xf32, #tpu.memory_space<vmem>> -> memref<1x64xf32, #tpu.memory_space<vmem>>
      %dma_start3A_167 = arith.constant 0 : i32
      %dma_start3A_168 = tpu.memref_slice %arg4[%and3A_116, %dma_start3A_167] : memref<16384x64xf32, #tpu.memory_space<hbm>> -> memref<1x64xf32, #tpu.memory_space<hbm>>
      %dma_start3A_169 = arith.constant 0 : i32
      %dma_start3A_170 = tpu.memref_slice %arg4[%and3A_116, %dma_start3A_169] : memref<16384x64xf32, #tpu.memory_space<hbm>> -> memref<1x64xf32, #tpu.memory_space<hbm>>
      %dma_start3A_171 = arith.constant 0 : i32
      %dma_start3A_172 = arith.constant 0 : i32
      %dma_start3A_173 = tpu.memref_slice %arg11[%rem3A_118, %dma_start3A_171, %dma_start3A_172] : memref<32x1x64xf32, #tpu.memory_space<vmem>> -> memref<1x1x64xf32, #tpu.memory_space<vmem>>
      %dma_start3A_174 = tpu.memref_squeeze %dma_start3A_173 : memref<1x1x64xf32, #tpu.memory_space<vmem>> -> memref<1x64xf32, #tpu.memory_space<vmem>>
      tpu.enqueue_dma source(%dma_start3A_174 : memref<1x64xf32, #tpu.memory_space<vmem>>) target(%dma_start3A_170 : memref<1x64xf32, #tpu.memory_space<hbm>>) target_semaphore(%arg13 : memref<!tpu.dma_semaphore, #tpu.memory_space<semaphore_mem>>)
      %add3A_175 = arith.constant 1 : i32
      %add3A_176 = arith.addi %while3A_110, %add3A_175 : i32
      scf.yield %add3A_176 : i32
    }
    %while3A_85 = arith.constant 1 : i32
    %while3A_86 = scf.for %while3A_109 = %while3A_82 to %while3A_78 step %while3A_85 iter_args(%while3A_110 = %while3A_84) -> (i32)  : i32 {
      %get3A = arith.index_cast %while3A_109 : i32 to index
      %get3A_111 = tpu.vector_load %arg8[%get3A] {strides = array<i32>} : memref<528xi32, #tpu.memory_space<vmem>>, vector<16xi32>,
      %slice3A = vector.extract_strided_slice %get3A_111 {offsets = [0], sizes = [1], strides = [1]} : vector<16xi32> to vector<1xi32>
      %squeeze3A = vector.extract %slice3A[0] : i32 from vector<1xi32>
      %shift_right_logical3A = arith.constant 14 : i32
      %shift_right_logical3A_112 = arith.shrui %squeeze3A, %shift_right_logical3A : i32
      %and3A_113 = arith.constant 32767 : i32
      %and3A_114 = arith.andi %shift_right_logical3A_112, %and3A_113 : i32
      %and3A_115 = arith.constant 16383 : i32
      %and3A_116 = arith.andi %squeeze3A, %and3A_115 : i32
      %rem3A_117 = arith.constant 32 : i32
      %rem3A_118 = arith.remsi %while3A_110, %rem3A_117 : i32
      %ge3A = arith.constant 32 : i32
      %ge3A_119 = arith.cmpi sge, %while3A_110, %ge3A : i32
      %convert_element_type3A_120 = arith.extui %ge3A_119 : i1 to i32
      %cond3A_121 = arith.constant 0 : i32
      %cond3A_122 = arith.cmpi ne, %convert_element_type3A_120, %cond3A_121 : i32
      scf.if %cond3A_122 {
        %dma_wait3A_177 = arith.constant 0 : i32
        %dma_wait3A_178 = arith.constant 0 : i32
        %dma_wait3A_179 = arith.constant 0 : i32
        %dma_wait3A_180 = tpu.memref_slice %arg11[%dma_wait3A_177, %dma_wait3A_178, %dma_wait3A_179] : memref<32x1x64xf32, #tpu.memory_space<vmem>> -> memref<1x1x64xf32, #tpu.memory_space<vmem>>
        %dma_wait3A_181 = arith.constant 0 : i32
        %dma_wait3A_182 = arith.constant 0 : i32
        %dma_wait3A_183 = tpu.memref_slice %arg4[%dma_wait3A_181, %dma_wait3A_182] : memref<16384x64xf32, #tpu.memory_space<hbm>> -> memref<1x64xf32, #tpu.memory_space<hbm>>
        %dma_wait3A_184 = arith.constant 0 : i32
        %dma_wait3A_185 = arith.constant 0 : i32
        %dma_wait3A_186 = arith.constant 0 : i32
        %dma_wait3A_187 = tpu.memref_slice %arg11[%dma_wait3A_184, %dma_wait3A_185, %dma_wait3A_186] : memref<32x1x64xf32, #tpu.memory_space<vmem>> -> memref<1x1x64xf32, #tpu.memory_space<vmem>>
        %dma_wait3A_188 = arith.constant 0 : i32
        %dma_wait3A_189 = arith.constant 0 : i32
        %dma_wait3A_190 = tpu.memref_slice %arg4[%dma_wait3A_188, %dma_wait3A_189] : memref<16384x64xf32, #tpu.memory_space<hbm>> -> memref<1x64xf32, #tpu.memory_space<hbm>>
        tpu.wait_dma2 semaphore(%arg13 : memref<!tpu.dma_semaphore, #tpu.memory_space<semaphore_mem>>) src(%dma_wait3A_190 : memref<1x64xf32, #tpu.memory_space<hbm>>) dst(%dma_wait3A_187 : memref<1x1x64xf32, #tpu.memory_space<vmem>>)
      } else {
      }
      %iota3A = tpu.iota {dimensions = array<i32: 0>} : vector<16xi32>
      %add3A_123 = arith.constant 0 : i32
      %add3A_124 = vector.broadcast %add3A_123 : i32 to vector<16xi32>
      %add3A_125 = arith.addi %iota3A, %add3A_124 : vector<16xi32>
      %broadcast_in_dim3A = vector.broadcast %and3A_114 : i32 to vector<16xi32>
      %gather3A = tpu.vector_load_idx %arg10[%add3A_125, %broadcast_in_dim3A] : memref<64x64xf32, #tpu.memory_space<vmem>>[vector<16xi32>, vector<16xi32>], vector<16xf32>,
      %swap3A = arith.constant 0 : i32
      %swap3A_126 = arith.index_cast %rem3A_118 : i32 to index
      %swap3A_127 = arith.index_cast %swap3A : i32 to index
      %swap3A_128 = arith.constant 0 : index
      %swap3A_129 = tpu.vector_load %arg11[%swap3A_126, %swap3A_127, %swap3A_128] {strides = array<i32>} : memref<32x1x64xf32, #tpu.memory_space<vmem>>, vector<16xf32>,
      tpu.vector_store %arg11[%swap3A_126, %swap3A_127, %swap3A_128], %gather3A {strides = array<i32>} : memref<32x1x64xf32, #tpu.memory_space<vmem>>, vector<16xf32>,
      %iota3A_130 = tpu.iota {dimensions = array<i32: 0>} : vector<16xi32>
      %add3A_131 = arith.constant 16 : i32
      %add3A_132 = vector.broadcast %add3A_131 : i32 to vector<16xi32>
      %add3A_133 = arith.addi %iota3A_130, %add3A_132 : vector<16xi32>
      %broadcast_in_dim3A_134 = vector.broadcast %and3A_114 : i32 to vector<16xi32>
      %gather3A_135 = tpu.vector_load_idx %arg10[%add3A_133, %broadcast_in_dim3A_134] : memref<64x64xf32, #tpu.memory_space<vmem>>[vector<16xi32>, vector<16xi32>], vector<16xf32>,
      %swap3A_136 = arith.constant 0 : i32
      %swap3A_137 = arith.index_cast %rem3A_118 : i32 to index
      %swap3A_138 = arith.index_cast %swap3A_136 : i32 to index
      %swap3A_139 = arith.constant 16 : index
      %swap3A_140 = tpu.vector_load %arg11[%swap3A_137, %swap3A_138, %swap3A_139] {strides = array<i32>} : memref<32x1x64xf32, #tpu.memory_space<vmem>>, vector<16xf32>,
      tpu.vector_store %arg11[%swap3A_137, %swap3A_138, %swap3A_139], %gather3A_135 {strides = array<i32>} : memref<32x1x64xf32, #tpu.memory_space<vmem>>, vector<16xf32>,
      %iota3A_141 = tpu.iota {dimensions = array<i32: 0>} : vector<16xi32>
      %add3A_142 = arith.constant 32 : i32
      %add3A_143 = vector.broadcast %add3A_142 : i32 to vector<16xi32>
      %add3A_144 = arith.addi %iota3A_141, %add3A_143 : vector<16xi32>
      %broadcast_in_dim3A_145 = vector.broadcast %and3A_114 : i32 to vector<16xi32>
      %gather3A_146 = tpu.vector_load_idx %arg10[%add3A_144, %broadcast_in_dim3A_145] : memref<64x64xf32, #tpu.memory_space<vmem>>[vector<16xi32>, vector<16xi32>], vector<16xf32>,
      %swap3A_147 = arith.constant 0 : i32
      %swap3A_148 = arith.index_cast %rem3A_118 : i32 to index
      %swap3A_149 = arith.index_cast %swap3A_147 : i32 to index
      %swap3A_150 = arith.constant 32 : index
      %swap3A_151 = tpu.vector_load %arg11[%swap3A_148, %swap3A_149, %swap3A_150] {strides = array<i32>} : memref<32x1x64xf32, #tpu.memory_space<vmem>>, vector<16xf32>,
      tpu.vector_store %arg11[%swap3A_148, %swap3A_149, %swap3A_150], %gather3A_146 {strides = array<i32>} : memref<32x1x64xf32, #tpu.memory_space<vmem>>, vector<16xf32>,
      %iota3A_152 = tpu.iota {dimensions = array<i32: 0>} : vector<16xi32>
      %add3A_153 = arith.constant 48 : i32
      %add3A_154 = vector.broadcast %add3A_153 : i32 to vector<16xi32>
      %add3A_155 = arith.addi %iota3A_152, %add3A_154 : vector<16xi32>
      %broadcast_in_dim3A_156 = vector.broadcast %and3A_114 : i32 to vector<16xi32>
      %gather3A_157 = tpu.vector_load_idx %arg10[%add3A_155, %broadcast_in_dim3A_156] : memref<64x64xf32, #tpu.memory_space<vmem>>[vector<16xi32>, vector<16xi32>], vector<16xf32>,
      %swap3A_158 = arith.constant 0 : i32
      %swap3A_159 = arith.index_cast %rem3A_118 : i32 to index
      %swap3A_160 = arith.index_cast %swap3A_158 : i32 to index
      %swap3A_161 = arith.constant 48 : index
      %swap3A_162 = tpu.vector_load %arg11[%swap3A_159, %swap3A_160, %swap3A_161] {strides = array<i32>} : memref<32x1x64xf32, #tpu.memory_space<vmem>>, vector<16xf32>,
      tpu.vector_store %arg11[%swap3A_159, %swap3A_160, %swap3A_161], %gather3A_157 {strides = array<i32>} : memref<32x1x64xf32, #tpu.memory_space<vmem>>, vector<16xf32>,
      %dma_start3A_163 = arith.constant 0 : i32
      %dma_start3A_164 = arith.constant 0 : i32
      %dma_start3A_165 = tpu.memref_slice %arg11[%rem3A_118, %dma_start3A_163, %dma_start3A_164] : memref<32x1x64xf32, #tpu.memory_space<vmem>> -> memref<1x1x64xf32, #tpu.memory_space<vmem>>
      %dma_start3A_166 = tpu.memref_squeeze %dma_start3A_165 : memref<1x1x64xf32, #tpu.memory_space<vmem>> -> memref<1x64xf32, #tpu.memory_space<vmem>>
      %dma_start3A_167 = arith.constant 0 : i32
      %dma_start3A_168 = tpu.memref_slice %arg4[%and3A_116, %dma_start3A_167] : memref<16384x64xf32, #tpu.memory_space<hbm>> -> memref<1x64xf32, #tpu.memory_space<hbm>>
      %dma_start3A_169 = arith.constant 0 : i32
      %dma_start3A_170 = tpu.memref_slice %arg4[%and3A_116, %dma_start3A_169] : memref<16384x64xf32, #tpu.memory_space<hbm>> -> memref<1x64xf32, #tpu.memory_space<hbm>>
      %dma_start3A_171 = arith.constant 0 : i32
      %dma_start3A_172 = arith.constant 0 : i32
      %dma_start3A_173 = tpu.memref_slice %arg11[%rem3A_118, %dma_start3A_171, %dma_start3A_172] : memref<32x1x64xf32, #tpu.memory_space<vmem>> -> memref<1x1x64xf32, #tpu.memory_space<vmem>>
      %dma_start3A_174 = tpu.memref_squeeze %dma_start3A_173 : memref<1x1x64xf32, #tpu.memory_space<vmem>> -> memref<1x64xf32, #tpu.memory_space<vmem>>
      tpu.enqueue_dma source(%dma_start3A_174 : memref<1x64xf32, #tpu.memory_space<vmem>>) target(%dma_start3A_170 : memref<1x64xf32, #tpu.memory_space<hbm>>) target_semaphore(%arg13 : memref<!tpu.dma_semaphore, #tpu.memory_space<semaphore_mem>>)
      %add3A_175 = arith.constant 1 : i32
      %add3A_176 = arith.addi %while3A_110, %add3A_175 : i32
      scf.yield %add3A_176 : i32
    }
    %while3A_87 = arith.constant 0 : i32
    %while3A_88 = arith.subi %sub3A_49, %while3A_87 : i32
    %while3A_89 = arith.addi %while3A_87, %while3A_88 : i32
    %while3A_90 = arith.constant 1 : i32
    %while3A_91 = arith.divsi %while3A_88, %while3A_90 : i32
    %while3A_92 = arith.muli %while3A_91, %while3A_90 : i32
    %while3A_93 = arith.addi %while3A_87, %while3A_92 : i32
    %while3A_94 = arith.constant 1 : i32
    %while3A_95 = scf.for %while3A_109 = %while3A_87 to %while3A_93 step %while3A_94 iter_args(%while3A_110 = %while3A_86) -> (i32)  : i32 {
      %rem3A_111 = arith.constant 2 : i32
      %rem3A_112 = arith.remsi %while3A_109, %rem3A_111 : i32
      %add3A_113 = arith.constant 16 : i32
      %add3A_114 = arith.addi %scan3A_69#0, %add3A_113 : i32
      %sub3A_115 = arith.constant 1 : i32
      %sub3A_116 = arith.subi %add3A_114, %sub3A_115 : i32
      %jit3A_117 = arith.constant 16 : i32
      %div3A_118 = arith.divsi %sub3A_116, %jit3A_117 : i32
      %sign3A_119 = arith.constant 0 : i32
      %sign3A_120 = arith.cmpi sgt, %sub3A_116, %sign3A_119 : i32
      %sign3A_121 = arith.extui %sign3A_120 : i1 to i32
      %sign3A_122 = arith.constant 0 : i32
      %sign3A_123 = arith.cmpi slt, %sub3A_116, %sign3A_122 : i32
      %sign3A_124 = arith.extui %sign3A_123 : i1 to i32
      %sign3A_125 = arith.subi %sign3A_121, %sign3A_124 : i32
      %sign3A_126 = arith.constant 0 : i32
      %sign3A_127 = arith.cmpi sgt, %jit3A_117, %sign3A_126 : i32
      %sign3A_128 = arith.extui %sign3A_127 : i1 to i32
      %sign3A_129 = arith.constant 0 : i32
      %sign3A_130 = arith.cmpi slt, %jit3A_117, %sign3A_129 : i32
      %sign3A_131 = arith.extui %sign3A_130 : i1 to i32
      %sign3A_132 = arith.subi %sign3A_128, %sign3A_131 : i32
      %ne3A_133 = arith.cmpi ne, %sign3A_125, %sign3A_132 : i32
      %rem3A_134 = arith.remsi %sub3A_116, %jit3A_117 : i32
      %ne3A_135 = arith.constant 0 : i32
      %ne3A_136 = arith.cmpi ne, %rem3A_134, %ne3A_135 : i32
      %and3A_137 = arith.andi %ne3A_133, %ne3A_136 : i1
      %sub3A_138 = arith.constant 1 : i32
      %sub3A_139 = arith.subi %div3A_118, %sub3A_138 : i32
      %select_n3A_140 = arith.select %and3A_137, %sub3A_139, %div3A_118 : i32
      %while3A_141 = arith.constant 0 : i32
      %while3A_142 = arith.constant 0 : i32
      %while3A_143 = arith.subi %select_n3A_140, %while3A_141 : i32
      %while3A_144 = arith.addi %while3A_141, %while3A_143 : i32
      %while3A_145 = arith.constant 1 : i32
      %while3A_146 = arith.divsi %while3A_143, %while3A_145 : i32
      %while3A_147 = arith.muli %while3A_146, %while3A_145 : i32
      %while3A_148 = arith.addi %while3A_141, %while3A_147 : i32
      %while3A_149 = arith.constant 1 : i32
      %while3A_150 = scf.for %while3A_185 = %while3A_141 to %while3A_148 step %while3A_149 iter_args(%while3A_186 = %while3A_142) -> (i32)  : i32 {
        %mul3A_187 = arith.constant 16 : i32
        %mul3A_188 = arith.muli %while3A_185, %mul3A_187 : i32
        %get3A = arith.index_cast %mul3A_188 : i32 to index
        %get3A_189 = tpu.vector_load %arg6[%get3A] {strides = array<i32>} : memref<16400xi32, #tpu.memory_space<vmem>>, vector<16xi32>,
        %iota3A = tpu.iota {dimensions = array<i32: 0>} : vector<16xi32>
        %mul3A_190 = arith.constant 16 : i32
        %mul3A_191 = arith.muli %while3A_185, %mul3A_190 : i32
        %add3A_192 = vector.broadcast %mul3A_191 : i32 to vector<16xi32>
        %add3A_193 = arith.addi %iota3A, %add3A_192 : vector<16xi32>
        %lt3A_194 = vector.broadcast %scan3A_69#0 : i32 to vector<16xi32>
        %lt3A_195 = arith.cmpi slt, %add3A_193, %lt3A_194 : vector<16xi32>
        %shift_right_logical3A = arith.constant 23 : i32
        %shift_right_logical3A_196 = vector.broadcast %shift_right_logical3A : i32 to vector<16xi32>
        %shift_right_logical3A_197 = arith.shrui %get3A_189, %shift_right_logical3A_196 : vector<16xi32>
        %eq3A = vector.broadcast %while3A_109 : i32 to vector<16xi32>
        %eq3A_198 = arith.cmpi eq, %shift_right_logical3A_197, %eq3A : vector<16xi32>
        %and3A_199 = arith.andi %eq3A_198, %lt3A_195 : vector<16xi1>
        %swap3A = arith.index_cast %while3A_186 : i32 to index
        %swap3A_200 = tpu.vector_load %arg7[%swap3A] masked %and3A_199 {strides = array<i32>} : memref<16400xi32, #tpu.memory_space<vmem>>, vector<16xi32>, vector<16xi1>
        tpu.vector_store %arg7[%swap3A], %get3A_189 masked %and3A_199 {strides = array<i32>} : memref<16400xi32, #tpu.memory_space<vmem>>, vector<16xi32>, vector<16xi1>
        %all_reduce_population_count3A = tpu.all_reduce %and3A_199 {dim = 0 : i64, kind = #tpu.reduction_kind<sum>} : vector<16xi1> -> vector<16xi32>
        %slice3A = vector.extract_strided_slice %all_reduce_population_count3A {offsets = [0], sizes = [1], strides = [1]} : vector<16xi32> to vector<1xi32>
        %squeeze3A = vector.extract %slice3A[0] : i32 from vector<1xi32>
        %add3A_201 = arith.addi %while3A_186, %squeeze3A : i32
        scf.yield %add3A_201 : i32
      }
      %while3A_151 = arith.constant 1 : i32
      %while3A_152 = scf.for %while3A_185 = %while3A_148 to %while3A_144 step %while3A_151 iter_args(%while3A_186 = %while3A_150) -> (i32)  : i32 {
        %mul3A_187 = arith.constant 16 : i32
        %mul3A_188 = arith.muli %while3A_185, %mul3A_187 : i32
        %get3A = arith.index_cast %mul3A_188 : i32 to index
        %get3A_189 = tpu.vector_load %arg6[%get3A] {strides = array<i32>} : memref<16400xi32, #tpu.memory_space<vmem>>, vector<16xi32>,
        %iota3A = tpu.iota {dimensions = array<i32: 0>} : vector<16xi32>
        %mul3A_190 = arith.constant 16 : i32
        %mul3A_191 = arith.muli %while3A_185, %mul3A_190 : i32
        %add3A_192 = vector.broadcast %mul3A_191 : i32 to vector<16xi32>
        %add3A_193 = arith.addi %iota3A, %add3A_192 : vector<16xi32>
        %lt3A_194 = vector.broadcast %scan3A_69#0 : i32 to vector<16xi32>
        %lt3A_195 = arith.cmpi slt, %add3A_193, %lt3A_194 : vector<16xi32>
        %shift_right_logical3A = arith.constant 23 : i32
        %shift_right_logical3A_196 = vector.broadcast %shift_right_logical3A : i32 to vector<16xi32>
        %shift_right_logical3A_197 = arith.shrui %get3A_189, %shift_right_logical3A_196 : vector<16xi32>
        %eq3A = vector.broadcast %while3A_109 : i32 to vector<16xi32>
        %eq3A_198 = arith.cmpi eq, %shift_right_logical3A_197, %eq3A : vector<16xi32>
        %and3A_199 = arith.andi %eq3A_198, %lt3A_195 : vector<16xi1>
        %swap3A = arith.index_cast %while3A_186 : i32 to index
        %swap3A_200 = tpu.vector_load %arg7[%swap3A] masked %and3A_199 {strides = array<i32>} : memref<16400xi32, #tpu.memory_space<vmem>>, vector<16xi32>, vector<16xi1>
        tpu.vector_store %arg7[%swap3A], %get3A_189 masked %and3A_199 {strides = array<i32>} : memref<16400xi32, #tpu.memory_space<vmem>>, vector<16xi32>, vector<16xi1>
        %all_reduce_population_count3A = tpu.all_reduce %and3A_199 {dim = 0 : i64, kind = #tpu.reduction_kind<sum>} : vector<16xi1> -> vector<16xi32>
        %slice3A = vector.extract_strided_slice %all_reduce_population_count3A {offsets = [0], sizes = [1], strides = [1]} : vector<16xi32> to vector<1xi32>
        %squeeze3A = vector.extract %slice3A[0] : i32 from vector<1xi32>
        %add3A_201 = arith.addi %while3A_186, %squeeze3A : i32
        scf.yield %add3A_201 : i32
      }
      %dma_wait3A_153 = arith.constant 0 : i32
      %dma_wait3A_154 = arith.constant 0 : i32
      %dma_wait3A_155 = tpu.memref_slice %arg9[%rem3A_112, %dma_wait3A_153, %dma_wait3A_154] : memref<2x64x512xf32, #tpu.memory_space<vmem>> -> memref<1x64x512xf32, #tpu.memory_space<vmem>>
      %dma_wait3A_156 = tpu.memref_squeeze %dma_wait3A_155 : memref<1x64x512xf32, #tpu.memory_space<vmem>> -> memref<64x512xf32, #tpu.memory_space<vmem>>
      %dma_wait3A_157 = arith.constant 0 : i32
      %dma_wait3A_158 = arith.constant 0 : i32
      %dma_wait3A_159 = tpu.memref_slice %arg2[%dma_wait3A_157, %dma_wait3A_158] : memref<64x1000000xf32, #tpu.memory_space<hbm>> -> memref<64x512xf32, #tpu.memory_space<hbm>>
      %dma_wait3A_160 = tpu.memref_slice %arg12[%rem3A_112] : memref<2x!tpu.dma_semaphore, #tpu.memory_space<semaphore_mem>> -> memref<1x!tpu.dma_semaphore, #tpu.memory_space<semaphore_mem>>
      %dma_wait3A_161 = tpu.memref_squeeze %dma_wait3A_160 : memref<1x!tpu.dma_semaphore, #tpu.memory_space<semaphore_mem>> -> memref<!tpu.dma_semaphore, #tpu.memory_space<semaphore_mem>>
      %dma_wait3A_162 = arith.constant 0 : i32
      %dma_wait3A_163 = arith.constant 0 : i32
      %dma_wait3A_164 = tpu.memref_slice %arg9[%rem3A_112, %dma_wait3A_162, %dma_wait3A_163] : memref<2x64x512xf32, #tpu.memory_space<vmem>> -> memref<1x64x512xf32, #tpu.memory_space<vmem>>
      %dma_wait3A_165 = tpu.memref_squeeze %dma_wait3A_164 : memref<1x64x512xf32, #tpu.memory_space<vmem>> -> memref<64x512xf32, #tpu.memory_space<vmem>>
      %dma_wait3A_166 = arith.constant 0 : i32
      %dma_wait3A_167 = arith.constant 0 : i32
      %dma_wait3A_168 = tpu.memref_slice %arg2[%dma_wait3A_166, %dma_wait3A_167] : memref<64x1000000xf32, #tpu.memory_space<hbm>> -> memref<64x512xf32, #tpu.memory_space<hbm>>
      tpu.wait_dma2 semaphore(%dma_wait3A_161 : memref<!tpu.dma_semaphore, #tpu.memory_space<semaphore_mem>>) src(%dma_wait3A_168 : memref<64x512xf32, #tpu.memory_space<hbm>>) dst(%dma_wait3A_165 : memref<64x512xf32, #tpu.memory_space<vmem>>)
      %while3A_169 = arith.constant 0 : i32
      %while3A_170 = arith.subi %while3A_152, %while3A_169 : i32
      %while3A_171 = arith.addi %while3A_169, %while3A_170 : i32
      %while3A_172 = arith.constant 1 : i32
      %while3A_173 = arith.divsi %while3A_170, %while3A_172 : i32
      %while3A_174 = arith.muli %while3A_173, %while3A_172 : i32
      %while3A_175 = arith.addi %while3A_169, %while3A_174 : i32
      %while3A_176 = arith.constant 1 : i32
      %while3A_177 = scf.for %while3A_185 = %while3A_169 to %while3A_175 step %while3A_176 iter_args(%while3A_186 = %while3A_110) -> (i32)  : i32 {
        %get3A = arith.index_cast %while3A_185 : i32 to index
        %get3A_187 = tpu.vector_load %arg7[%get3A] {strides = array<i32>} : memref<16400xi32, #tpu.memory_space<vmem>>, vector<16xi32>,
        %slice3A = vector.extract_strided_slice %get3A_187 {offsets = [0], sizes = [1], strides = [1]} : vector<16xi32> to vector<1xi32>
        %squeeze3A = vector.extract %slice3A[0] : i32 from vector<1xi32>
        %and3A_188 = arith.constant 8388607 : i32
        %and3A_189 = arith.andi %squeeze3A, %and3A_188 : i32
        %shift_right_logical3A = arith.constant 14 : i32
        %shift_right_logical3A_190 = arith.shrui %and3A_189, %shift_right_logical3A : i32
        %and3A_191 = arith.constant 32767 : i32
        %and3A_192 = arith.andi %shift_right_logical3A_190, %and3A_191 : i32
        %and3A_193 = arith.constant 16383 : i32
        %and3A_194 = arith.andi %and3A_189, %and3A_193 : i32
        %rem3A_195 = arith.constant 32 : i32
        %rem3A_196 = arith.remsi %while3A_186, %rem3A_195 : i32
        %ge3A = arith.constant 32 : i32
        %ge3A_197 = arith.cmpi sge, %while3A_186, %ge3A : i32
        %convert_element_type3A_198 = arith.extui %ge3A_197 : i1 to i32
        %cond3A_199 = arith.constant 0 : i32
        %cond3A_200 = arith.cmpi ne, %convert_element_type3A_198, %cond3A_199 : i32
        scf.if %cond3A_200 {
          %dma_wait3A_259 = arith.constant 0 : i32
          %dma_wait3A_260 = arith.constant 0 : i32
          %dma_wait3A_261 = arith.constant 0 : i32
          %dma_wait3A_262 = tpu.memref_slice %arg11[%dma_wait3A_259, %dma_wait3A_260, %dma_wait3A_261] : memref<32x1x64xf32, #tpu.memory_space<vmem>> -> memref<1x1x64xf32, #tpu.memory_space<vmem>>
          %dma_wait3A_263 = arith.constant 0 : i32
          %dma_wait3A_264 = arith.constant 0 : i32
          %dma_wait3A_265 = tpu.memref_slice %arg4[%dma_wait3A_263, %dma_wait3A_264] : memref<16384x64xf32, #tpu.memory_space<hbm>> -> memref<1x64xf32, #tpu.memory_space<hbm>>
          %dma_wait3A_266 = arith.constant 0 : i32
          %dma_wait3A_267 = arith.constant 0 : i32
          %dma_wait3A_268 = arith.constant 0 : i32
          %dma_wait3A_269 = tpu.memref_slice %arg11[%dma_wait3A_266, %dma_wait3A_267, %dma_wait3A_268] : memref<32x1x64xf32, #tpu.memory_space<vmem>> -> memref<1x1x64xf32, #tpu.memory_space<vmem>>
          %dma_wait3A_270 = arith.constant 0 : i32
          %dma_wait3A_271 = arith.constant 0 : i32
          %dma_wait3A_272 = tpu.memref_slice %arg4[%dma_wait3A_270, %dma_wait3A_271] : memref<16384x64xf32, #tpu.memory_space<hbm>> -> memref<1x64xf32, #tpu.memory_space<hbm>>
          tpu.wait_dma2 semaphore(%arg13 : memref<!tpu.dma_semaphore, #tpu.memory_space<semaphore_mem>>) src(%dma_wait3A_272 : memref<1x64xf32, #tpu.memory_space<hbm>>) dst(%dma_wait3A_269 : memref<1x1x64xf32, #tpu.memory_space<vmem>>)
        } else {
        }
        %iota3A = tpu.iota {dimensions = array<i32: 0>} : vector<16xi32>
        %add3A_201 = arith.constant 0 : i32
        %add3A_202 = vector.broadcast %add3A_201 : i32 to vector<16xi32>
        %add3A_203 = arith.addi %iota3A, %add3A_202 : vector<16xi32>
        %broadcast_in_dim3A = vector.broadcast %and3A_192 : i32 to vector<16xi32>
        %broadcast_in_dim3A_204 = vector.broadcast %rem3A_112 : i32 to vector<16xi32>
        %gather3A = tpu.vector_load_idx %arg9[%broadcast_in_dim3A_204, %add3A_203, %broadcast_in_dim3A] : memref<2x64x512xf32, #tpu.memory_space<vmem>>[vector<16xi32>, vector<16xi32>, vector<16xi32>], vector<16xf32>,
        %swap3A = arith.constant 0 : i32
        %swap3A_205 = arith.index_cast %rem3A_196 : i32 to index
        %swap3A_206 = arith.index_cast %swap3A : i32 to index
        %swap3A_207 = arith.constant 0 : index
        %swap3A_208 = tpu.vector_load %arg11[%swap3A_205, %swap3A_206, %swap3A_207] {strides = array<i32>} : memref<32x1x64xf32, #tpu.memory_space<vmem>>, vector<16xf32>,
        tpu.vector_store %arg11[%swap3A_205, %swap3A_206, %swap3A_207], %gather3A {strides = array<i32>} : memref<32x1x64xf32, #tpu.memory_space<vmem>>, vector<16xf32>,
        %iota3A_209 = tpu.iota {dimensions = array<i32: 0>} : vector<16xi32>
        %add3A_210 = arith.constant 16 : i32
        %add3A_211 = vector.broadcast %add3A_210 : i32 to vector<16xi32>
        %add3A_212 = arith.addi %iota3A_209, %add3A_211 : vector<16xi32>
        %broadcast_in_dim3A_213 = vector.broadcast %and3A_192 : i32 to vector<16xi32>
        %broadcast_in_dim3A_214 = vector.broadcast %rem3A_112 : i32 to vector<16xi32>
        %gather3A_215 = tpu.vector_load_idx %arg9[%broadcast_in_dim3A_214, %add3A_212, %broadcast_in_dim3A_213] : memref<2x64x512xf32, #tpu.memory_space<vmem>>[vector<16xi32>, vector<16xi32>, vector<16xi32>], vector<16xf32>,
        %swap3A_216 = arith.constant 0 : i32
        %swap3A_217 = arith.index_cast %rem3A_196 : i32 to index
        %swap3A_218 = arith.index_cast %swap3A_216 : i32 to index
        %swap3A_219 = arith.constant 16 : index
        %swap3A_220 = tpu.vector_load %arg11[%swap3A_217, %swap3A_218, %swap3A_219] {strides = array<i32>} : memref<32x1x64xf32, #tpu.memory_space<vmem>>, vector<16xf32>,
        tpu.vector_store %arg11[%swap3A_217, %swap3A_218, %swap3A_219], %gather3A_215 {strides = array<i32>} : memref<32x1x64xf32, #tpu.memory_space<vmem>>, vector<16xf32>,
        %iota3A_221 = tpu.iota {dimensions = array<i32: 0>} : vector<16xi32>
        %add3A_222 = arith.constant 32 : i32
        %add3A_223 = vector.broadcast %add3A_222 : i32 to vector<16xi32>
        %add3A_224 = arith.addi %iota3A_221, %add3A_223 : vector<16xi32>
        %broadcast_in_dim3A_225 = vector.broadcast %and3A_192 : i32 to vector<16xi32>
        %broadcast_in_dim3A_226 = vector.broadcast %rem3A_112 : i32 to vector<16xi32>
        %gather3A_227 = tpu.vector_load_idx %arg9[%broadcast_in_dim3A_226, %add3A_224, %broadcast_in_dim3A_225] : memref<2x64x512xf32, #tpu.memory_space<vmem>>[vector<16xi32>, vector<16xi32>, vector<16xi32>], vector<16xf32>,
        %swap3A_228 = arith.constant 0 : i32
        %swap3A_229 = arith.index_cast %rem3A_196 : i32 to index
        %swap3A_230 = arith.index_cast %swap3A_228 : i32 to index
        %swap3A_231 = arith.constant 32 : index
        %swap3A_232 = tpu.vector_load %arg11[%swap3A_229, %swap3A_230, %swap3A_231] {strides = array<i32>} : memref<32x1x64xf32, #tpu.memory_space<vmem>>, vector<16xf32>,
        tpu.vector_store %arg11[%swap3A_229, %swap3A_230, %swap3A_231], %gather3A_227 {strides = array<i32>} : memref<32x1x64xf32, #tpu.memory_space<vmem>>, vector<16xf32>,
        %iota3A_233 = tpu.iota {dimensions = array<i32: 0>} : vector<16xi32>
        %add3A_234 = arith.constant 48 : i32
        %add3A_235 = vector.broadcast %add3A_234 : i32 to vector<16xi32>
        %add3A_236 = arith.addi %iota3A_233, %add3A_235 : vector<16xi32>
        %broadcast_in_dim3A_237 = vector.broadcast %and3A_192 : i32 to vector<16xi32>
        %broadcast_in_dim3A_238 = vector.broadcast %rem3A_112 : i32 to vector<16xi32>
        %gather3A_239 = tpu.vector_load_idx %arg9[%broadcast_in_dim3A_238, %add3A_236, %broadcast_in_dim3A_237] : memref<2x64x512xf32, #tpu.memory_space<vmem>>[vector<16xi32>, vector<16xi32>, vector<16xi32>], vector<16xf32>,
        %swap3A_240 = arith.constant 0 : i32
        %swap3A_241 = arith.index_cast %rem3A_196 : i32 to index
        %swap3A_242 = arith.index_cast %swap3A_240 : i32 to index
        %swap3A_243 = arith.constant 48 : index
        %swap3A_244 = tpu.vector_load %arg11[%swap3A_241, %swap3A_242, %swap3A_243] {strides = array<i32>} : memref<32x1x64xf32, #tpu.memory_space<vmem>>, vector<16xf32>,
        tpu.vector_store %arg11[%swap3A_241, %swap3A_242, %swap3A_243], %gather3A_239 {strides = array<i32>} : memref<32x1x64xf32, #tpu.memory_space<vmem>>, vector<16xf32>,
        %dma_start3A_245 = arith.constant 0 : i32
        %dma_start3A_246 = arith.constant 0 : i32
        %dma_start3A_247 = tpu.memref_slice %arg11[%rem3A_196, %dma_start3A_245, %dma_start3A_246] : memref<32x1x64xf32, #tpu.memory_space<vmem>> -> memref<1x1x64xf32, #tpu.memory_space<vmem>>
        %dma_start3A_248 = tpu.memref_squeeze %dma_start3A_247 : memref<1x1x64xf32, #tpu.memory_space<vmem>> -> memref<1x64xf32, #tpu.memory_space<vmem>>
        %dma_start3A_249 = arith.constant 0 : i32
        %dma_start3A_250 = tpu.memref_slice %arg4[%and3A_194, %dma_start3A_249] : memref<16384x64xf32, #tpu.memory_space<hbm>> -> memref<1x64xf32, #tpu.memory_space<hbm>>
        %dma_start3A_251 = arith.constant 0 : i32
        %dma_start3A_252 = tpu.memref_slice %arg4[%and3A_194, %dma_start3A_251] : memref<16384x64xf32, #tpu.memory_space<hbm>> -> memref<1x64xf32, #tpu.memory_space<hbm>>
        %dma_start3A_253 = arith.constant 0 : i32
        %dma_start3A_254 = arith.constant 0 : i32
        %dma_start3A_255 = tpu.memref_slice %arg11[%rem3A_196, %dma_start3A_253, %dma_start3A_254] : memref<32x1x64xf32, #tpu.memory_space<vmem>> -> memref<1x1x64xf32, #tpu.memory_space<vmem>>
        %dma_start3A_256 = tpu.memref_squeeze %dma_start3A_255 : memref<1x1x64xf32, #tpu.memory_space<vmem>> -> memref<1x64xf32, #tpu.memory_space<vmem>>
        tpu.enqueue_dma source(%dma_start3A_256 : memref<1x64xf32, #tpu.memory_space<vmem>>) target(%dma_start3A_252 : memref<1x64xf32, #tpu.memory_space<hbm>>) target_semaphore(%arg13 : memref<!tpu.dma_semaphore, #tpu.memory_space<semaphore_mem>>)
        %add3A_257 = arith.constant 1 : i32
        %add3A_258 = arith.addi %while3A_186, %add3A_257 : i32
        scf.yield %add3A_258 : i32
      }
      %while3A_178 = arith.constant 1 : i32
      %while3A_179 = scf.for %while3A_185 = %while3A_175 to %while3A_171 step %while3A_178 iter_args(%while3A_186 = %while3A_177) -> (i32)  : i32 {
        %get3A = arith.index_cast %while3A_185 : i32 to index
        %get3A_187 = tpu.vector_load %arg7[%get3A] {strides = array<i32>} : memref<16400xi32, #tpu.memory_space<vmem>>, vector<16xi32>,
        %slice3A = vector.extract_strided_slice %get3A_187 {offsets = [0], sizes = [1], strides = [1]} : vector<16xi32> to vector<1xi32>
        %squeeze3A = vector.extract %slice3A[0] : i32 from vector<1xi32>
        %and3A_188 = arith.constant 8388607 : i32
        %and3A_189 = arith.andi %squeeze3A, %and3A_188 : i32
        %shift_right_logical3A = arith.constant 14 : i32
        %shift_right_logical3A_190 = arith.shrui %and3A_189, %shift_right_logical3A : i32
        %and3A_191 = arith.constant 32767 : i32
        %and3A_192 = arith.andi %shift_right_logical3A_190, %and3A_191 : i32
        %and3A_193 = arith.constant 16383 : i32
        %and3A_194 = arith.andi %and3A_189, %and3A_193 : i32
        %rem3A_195 = arith.constant 32 : i32
        %rem3A_196 = arith.remsi %while3A_186, %rem3A_195 : i32
        %ge3A = arith.constant 32 : i32
        %ge3A_197 = arith.cmpi sge, %while3A_186, %ge3A : i32
        %convert_element_type3A_198 = arith.extui %ge3A_197 : i1 to i32
        %cond3A_199 = arith.constant 0 : i32
        %cond3A_200 = arith.cmpi ne, %convert_element_type3A_198, %cond3A_199 : i32
        scf.if %cond3A_200 {
          %dma_wait3A_259 = arith.constant 0 : i32
          %dma_wait3A_260 = arith.constant 0 : i32
          %dma_wait3A_261 = arith.constant 0 : i32
          %dma_wait3A_262 = tpu.memref_slice %arg11[%dma_wait3A_259, %dma_wait3A_260, %dma_wait3A_261] : memref<32x1x64xf32, #tpu.memory_space<vmem>> -> memref<1x1x64xf32, #tpu.memory_space<vmem>>
          %dma_wait3A_263 = arith.constant 0 : i32
          %dma_wait3A_264 = arith.constant 0 : i32
          %dma_wait3A_265 = tpu.memref_slice %arg4[%dma_wait3A_263, %dma_wait3A_264] : memref<16384x64xf32, #tpu.memory_space<hbm>> -> memref<1x64xf32, #tpu.memory_space<hbm>>
          %dma_wait3A_266 = arith.constant 0 : i32
          %dma_wait3A_267 = arith.constant 0 : i32
          %dma_wait3A_268 = arith.constant 0 : i32
          %dma_wait3A_269 = tpu.memref_slice %arg11[%dma_wait3A_266, %dma_wait3A_267, %dma_wait3A_268] : memref<32x1x64xf32, #tpu.memory_space<vmem>> -> memref<1x1x64xf32, #tpu.memory_space<vmem>>
          %dma_wait3A_270 = arith.constant 0 : i32
          %dma_wait3A_271 = arith.constant 0 : i32
          %dma_wait3A_272 = tpu.memref_slice %arg4[%dma_wait3A_270, %dma_wait3A_271] : memref<16384x64xf32, #tpu.memory_space<hbm>> -> memref<1x64xf32, #tpu.memory_space<hbm>>
          tpu.wait_dma2 semaphore(%arg13 : memref<!tpu.dma_semaphore, #tpu.memory_space<semaphore_mem>>) src(%dma_wait3A_272 : memref<1x64xf32, #tpu.memory_space<hbm>>) dst(%dma_wait3A_269 : memref<1x1x64xf32, #tpu.memory_space<vmem>>)
        } else {
        }
        %iota3A = tpu.iota {dimensions = array<i32: 0>} : vector<16xi32>
        %add3A_201 = arith.constant 0 : i32
        %add3A_202 = vector.broadcast %add3A_201 : i32 to vector<16xi32>
        %add3A_203 = arith.addi %iota3A, %add3A_202 : vector<16xi32>
        %broadcast_in_dim3A = vector.broadcast %and3A_192 : i32 to vector<16xi32>
        %broadcast_in_dim3A_204 = vector.broadcast %rem3A_112 : i32 to vector<16xi32>
        %gather3A = tpu.vector_load_idx %arg9[%broadcast_in_dim3A_204, %add3A_203, %broadcast_in_dim3A] : memref<2x64x512xf32, #tpu.memory_space<vmem>>[vector<16xi32>, vector<16xi32>, vector<16xi32>], vector<16xf32>,
        %swap3A = arith.constant 0 : i32
        %swap3A_205 = arith.index_cast %rem3A_196 : i32 to index
        %swap3A_206 = arith.index_cast %swap3A : i32 to index
        %swap3A_207 = arith.constant 0 : index
        %swap3A_208 = tpu.vector_load %arg11[%swap3A_205, %swap3A_206, %swap3A_207] {strides = array<i32>} : memref<32x1x64xf32, #tpu.memory_space<vmem>>, vector<16xf32>,
        tpu.vector_store %arg11[%swap3A_205, %swap3A_206, %swap3A_207], %gather3A {strides = array<i32>} : memref<32x1x64xf32, #tpu.memory_space<vmem>>, vector<16xf32>,
        %iota3A_209 = tpu.iota {dimensions = array<i32: 0>} : vector<16xi32>
        %add3A_210 = arith.constant 16 : i32
        %add3A_211 = vector.broadcast %add3A_210 : i32 to vector<16xi32>
        %add3A_212 = arith.addi %iota3A_209, %add3A_211 : vector<16xi32>
        %broadcast_in_dim3A_213 = vector.broadcast %and3A_192 : i32 to vector<16xi32>
        %broadcast_in_dim3A_214 = vector.broadcast %rem3A_112 : i32 to vector<16xi32>
        %gather3A_215 = tpu.vector_load_idx %arg9[%broadcast_in_dim3A_214, %add3A_212, %broadcast_in_dim3A_213] : memref<2x64x512xf32, #tpu.memory_space<vmem>>[vector<16xi32>, vector<16xi32>, vector<16xi32>], vector<16xf32>,
        %swap3A_216 = arith.constant 0 : i32
        %swap3A_217 = arith.index_cast %rem3A_196 : i32 to index
        %swap3A_218 = arith.index_cast %swap3A_216 : i32 to index
        %swap3A_219 = arith.constant 16 : index
        %swap3A_220 = tpu.vector_load %arg11[%swap3A_217, %swap3A_218, %swap3A_219] {strides = array<i32>} : memref<32x1x64xf32, #tpu.memory_space<vmem>>, vector<16xf32>,
        tpu.vector_store %arg11[%swap3A_217, %swap3A_218, %swap3A_219], %gather3A_215 {strides = array<i32>} : memref<32x1x64xf32, #tpu.memory_space<vmem>>, vector<16xf32>,
        %iota3A_221 = tpu.iota {dimensions = array<i32: 0>} : vector<16xi32>
        %add3A_222 = arith.constant 32 : i32
        %add3A_223 = vector.broadcast %add3A_222 : i32 to vector<16xi32>
        %add3A_224 = arith.addi %iota3A_221, %add3A_223 : vector<16xi32>
        %broadcast_in_dim3A_225 = vector.broadcast %and3A_192 : i32 to vector<16xi32>
        %broadcast_in_dim3A_226 = vector.broadcast %rem3A_112 : i32 to vector<16xi32>
        %gather3A_227 = tpu.vector_load_idx %arg9[%broadcast_in_dim3A_226, %add3A_224, %broadcast_in_dim3A_225] : memref<2x64x512xf32, #tpu.memory_space<vmem>>[vector<16xi32>, vector<16xi32>, vector<16xi32>], vector<16xf32>,
        %swap3A_228 = arith.constant 0 : i32
        %swap3A_229 = arith.index_cast %rem3A_196 : i32 to index
        %swap3A_230 = arith.index_cast %swap3A_228 : i32 to index
        %swap3A_231 = arith.constant 32 : index
        %swap3A_232 = tpu.vector_load %arg11[%swap3A_229, %swap3A_230, %swap3A_231] {strides = array<i32>} : memref<32x1x64xf32, #tpu.memory_space<vmem>>, vector<16xf32>,
        tpu.vector_store %arg11[%swap3A_229, %swap3A_230, %swap3A_231], %gather3A_227 {strides = array<i32>} : memref<32x1x64xf32, #tpu.memory_space<vmem>>, vector<16xf32>,
        %iota3A_233 = tpu.iota {dimensions = array<i32: 0>} : vector<16xi32>
        %add3A_234 = arith.constant 48 : i32
        %add3A_235 = vector.broadcast %add3A_234 : i32 to vector<16xi32>
        %add3A_236 = arith.addi %iota3A_233, %add3A_235 : vector<16xi32>
        %broadcast_in_dim3A_237 = vector.broadcast %and3A_192 : i32 to vector<16xi32>
        %broadcast_in_dim3A_238 = vector.broadcast %rem3A_112 : i32 to vector<16xi32>
        %gather3A_239 = tpu.vector_load_idx %arg9[%broadcast_in_dim3A_238, %add3A_236, %broadcast_in_dim3A_237] : memref<2x64x512xf32, #tpu.memory_space<vmem>>[vector<16xi32>, vector<16xi32>, vector<16xi32>], vector<16xf32>,
        %swap3A_240 = arith.constant 0 : i32
        %swap3A_241 = arith.index_cast %rem3A_196 : i32 to index
        %swap3A_242 = arith.index_cast %swap3A_240 : i32 to index
        %swap3A_243 = arith.constant 48 : index
        %swap3A_244 = tpu.vector_load %arg11[%swap3A_241, %swap3A_242, %swap3A_243] {strides = array<i32>} : memref<32x1x64xf32, #tpu.memory_space<vmem>>, vector<16xf32>,
        tpu.vector_store %arg11[%swap3A_241, %swap3A_242, %swap3A_243], %gather3A_239 {strides = array<i32>} : memref<32x1x64xf32, #tpu.memory_space<vmem>>, vector<16xf32>,
        %dma_start3A_245 = arith.constant 0 : i32
        %dma_start3A_246 = arith.constant 0 : i32
        %dma_start3A_247 = tpu.memref_slice %arg11[%rem3A_196, %dma_start3A_245, %dma_start3A_246] : memref<32x1x64xf32, #tpu.memory_space<vmem>> -> memref<1x1x64xf32, #tpu.memory_space<vmem>>
        %dma_start3A_248 = tpu.memref_squeeze %dma_start3A_247 : memref<1x1x64xf32, #tpu.memory_space<vmem>> -> memref<1x64xf32, #tpu.memory_space<vmem>>
        %dma_start3A_249 = arith.constant 0 : i32
        %dma_start3A_250 = tpu.memref_slice %arg4[%and3A_194, %dma_start3A_249] : memref<16384x64xf32, #tpu.memory_space<hbm>> -> memref<1x64xf32, #tpu.memory_space<hbm>>
        %dma_start3A_251 = arith.constant 0 : i32
        %dma_start3A_252 = tpu.memref_slice %arg4[%and3A_194, %dma_start3A_251] : memref<16384x64xf32, #tpu.memory_space<hbm>> -> memref<1x64xf32, #tpu.memory_space<hbm>>
        %dma_start3A_253 = arith.constant 0 : i32
        %dma_start3A_254 = arith.constant 0 : i32
        %dma_start3A_255 = tpu.memref_slice %arg11[%rem3A_196, %dma_start3A_253, %dma_start3A_254] : memref<32x1x64xf32, #tpu.memory_space<vmem>> -> memref<1x1x64xf32, #tpu.memory_space<vmem>>
        %dma_start3A_256 = tpu.memref_squeeze %dma_start3A_255 : memref<1x1x64xf32, #tpu.memory_space<vmem>> -> memref<1x64xf32, #tpu.memory_space<vmem>>
        tpu.enqueue_dma source(%dma_start3A_256 : memref<1x64xf32, #tpu.memory_space<vmem>>) target(%dma_start3A_252 : memref<1x64xf32, #tpu.memory_space<hbm>>) target_semaphore(%arg13 : memref<!tpu.dma_semaphore, #tpu.memory_space<semaphore_mem>>)
        %add3A_257 = arith.constant 1 : i32
        %add3A_258 = arith.addi %while3A_186, %add3A_257 : i32
        scf.yield %add3A_258 : i32
      }
      %add3A_180 = arith.constant 2 : i32
      %add3A_181 = arith.addi %while3A_109, %add3A_180 : i32
      %lt3A = arith.cmpi slt, %add3A_181, %sub3A_49 : i32
      %convert_element_type3A_182 = arith.extui %lt3A : i1 to i32
      %cond3A_183 = arith.constant 0 : i32
      %cond3A_184 = arith.cmpi ne, %convert_element_type3A_182, %cond3A_183 : i32
      scf.if %cond3A_184 {
        %add3A_185 = arith.constant 2 : i32
        %add3A_186 = arith.addi %while3A_109, %add3A_185 : i32
        %mul3A_187 = arith.constant 512 : i32
        %mul3A_188 = arith.muli %add3A_186, %mul3A_187 : i32
        %add3A_189 = arith.addi %mul3A_48, %mul3A_188 : i32
        %dma_start3A_190 = arith.constant 0 : i32
        %dma_start3A_191 = arith.constant 0 : i32
        %dma_start3A_192 = tpu.memref_slice %arg9[%rem3A_112, %dma_start3A_190, %dma_start3A_191] : memref<2x64x512xf32, #tpu.memory_space<vmem>> -> memref<1x64x512xf32, #tpu.memory_space<vmem>>
        %dma_start3A_193 = tpu.memref_squeeze %dma_start3A_192 : memref<1x64x512xf32, #tpu.memory_space<vmem>> -> memref<64x512xf32, #tpu.memory_space<vmem>>
        %dma_start3A_194 = arith.constant 0 : i32
        %dma_start3A_195 = tpu.memref_slice %arg2[%dma_start3A_194, %add3A_189] : memref<64x1000000xf32, #tpu.memory_space<hbm>> -> memref<64x512xf32, #tpu.memory_space<hbm>>
        %dma_start3A_196 = tpu.memref_slice %arg12[%rem3A_112] : memref<2x!tpu.dma_semaphore, #tpu.memory_space<semaphore_mem>> -> memref<1x!tpu.dma_semaphore, #tpu.memory_space<semaphore_mem>>
        %dma_start3A_197 = tpu.memref_squeeze %dma_start3A_196 : memref<1x!tpu.dma_semaphore, #tpu.memory_space<semaphore_mem>> -> memref<!tpu.dma_semaphore, #tpu.memory_space<semaphore_mem>>
        %dma_start3A_198 = arith.constant 0 : i32
        %dma_start3A_199 = arith.constant 0 : i32
        %dma_start3A_200 = tpu.memref_slice %arg9[%rem3A_112, %dma_start3A_198, %dma_start3A_199] : memref<2x64x512xf32, #tpu.memory_space<vmem>> -> memref<1x64x512xf32, #tpu.memory_space<vmem>>
        %dma_start3A_201 = tpu.memref_squeeze %dma_start3A_200 : memref<1x64x512xf32, #tpu.memory_space<vmem>> -> memref<64x512xf32, #tpu.memory_space<vmem>>
        %dma_start3A_202 = arith.constant 0 : i32
        %dma_start3A_203 = tpu.memref_slice %arg2[%dma_start3A_202, %add3A_189] : memref<64x1000000xf32, #tpu.memory_space<hbm>> -> memref<64x512xf32, #tpu.memory_space<hbm>>
        tpu.enqueue_dma source(%dma_start3A_203 : memref<64x512xf32, #tpu.memory_space<hbm>>) target(%dma_start3A_201 : memref<64x512xf32, #tpu.memory_space<vmem>>) target_semaphore(%dma_start3A_197 : memref<!tpu.dma_semaphore, #tpu.memory_space<semaphore_mem>>)
      } else {
      }
      scf.yield %while3A_179 : i32
    }
    %while3A_96 = arith.constant 1 : i32
    %while3A_97 = scf.for %while3A_109 = %while3A_93 to %while3A_89 step %while3A_96 iter_args(%while3A_110 = %while3A_95) -> (i32)  : i32 {
      %rem3A_111 = arith.constant 2 : i32
      %rem3A_112 = arith.remsi %while3A_109, %rem3A_111 : i32
      %add3A_113 = arith.constant 16 : i32
      %add3A_114 = arith.addi %scan3A_69#0, %add3A_113 : i32
      %sub3A_115 = arith.constant 1 : i32
      %sub3A_116 = arith.subi %add3A_114, %sub3A_115 : i32
      %jit3A_117 = arith.constant 16 : i32
      %div3A_118 = arith.divsi %sub3A_116, %jit3A_117 : i32
      %sign3A_119 = arith.constant 0 : i32
      %sign3A_120 = arith.cmpi sgt, %sub3A_116, %sign3A_119 : i32
      %sign3A_121 = arith.extui %sign3A_120 : i1 to i32
      %sign3A_122 = arith.constant 0 : i32
      %sign3A_123 = arith.cmpi slt, %sub3A_116, %sign3A_122 : i32
      %sign3A_124 = arith.extui %sign3A_123 : i1 to i32
      %sign3A_125 = arith.subi %sign3A_121, %sign3A_124 : i32
      %sign3A_126 = arith.constant 0 : i32
      %sign3A_127 = arith.cmpi sgt, %jit3A_117, %sign3A_126 : i32
      %sign3A_128 = arith.extui %sign3A_127 : i1 to i32
      %sign3A_129 = arith.constant 0 : i32
      %sign3A_130 = arith.cmpi slt, %jit3A_117, %sign3A_129 : i32
      %sign3A_131 = arith.extui %sign3A_130 : i1 to i32
      %sign3A_132 = arith.subi %sign3A_128, %sign3A_131 : i32
      %ne3A_133 = arith.cmpi ne, %sign3A_125, %sign3A_132 : i32
      %rem3A_134 = arith.remsi %sub3A_116, %jit3A_117 : i32
      %ne3A_135 = arith.constant 0 : i32
      %ne3A_136 = arith.cmpi ne, %rem3A_134, %ne3A_135 : i32
      %and3A_137 = arith.andi %ne3A_133, %ne3A_136 : i1
      %sub3A_138 = arith.constant 1 : i32
      %sub3A_139 = arith.subi %div3A_118, %sub3A_138 : i32
      %select_n3A_140 = arith.select %and3A_137, %sub3A_139, %div3A_118 : i32
      %while3A_141 = arith.constant 0 : i32
      %while3A_142 = arith.constant 0 : i32
      %while3A_143 = arith.subi %select_n3A_140, %while3A_141 : i32
      %while3A_144 = arith.addi %while3A_141, %while3A_143 : i32
      %while3A_145 = arith.constant 1 : i32
      %while3A_146 = arith.divsi %while3A_143, %while3A_145 : i32
      %while3A_147 = arith.muli %while3A_146, %while3A_145 : i32
      %while3A_148 = arith.addi %while3A_141, %while3A_147 : i32
      %while3A_149 = arith.constant 1 : i32
      %while3A_150 = scf.for %while3A_185 = %while3A_141 to %while3A_148 step %while3A_149 iter_args(%while3A_186 = %while3A_142) -> (i32)  : i32 {
        %mul3A_187 = arith.constant 16 : i32
        %mul3A_188 = arith.muli %while3A_185, %mul3A_187 : i32
        %get3A = arith.index_cast %mul3A_188 : i32 to index
        %get3A_189 = tpu.vector_load %arg6[%get3A] {strides = array<i32>} : memref<16400xi32, #tpu.memory_space<vmem>>, vector<16xi32>,
        %iota3A = tpu.iota {dimensions = array<i32: 0>} : vector<16xi32>
        %mul3A_190 = arith.constant 16 : i32
        %mul3A_191 = arith.muli %while3A_185, %mul3A_190 : i32
        %add3A_192 = vector.broadcast %mul3A_191 : i32 to vector<16xi32>
        %add3A_193 = arith.addi %iota3A, %add3A_192 : vector<16xi32>
        %lt3A_194 = vector.broadcast %scan3A_69#0 : i32 to vector<16xi32>
        %lt3A_195 = arith.cmpi slt, %add3A_193, %lt3A_194 : vector<16xi32>
        %shift_right_logical3A = arith.constant 23 : i32
        %shift_right_logical3A_196 = vector.broadcast %shift_right_logical3A : i32 to vector<16xi32>
        %shift_right_logical3A_197 = arith.shrui %get3A_189, %shift_right_logical3A_196 : vector<16xi32>
        %eq3A = vector.broadcast %while3A_109 : i32 to vector<16xi32>
        %eq3A_198 = arith.cmpi eq, %shift_right_logical3A_197, %eq3A : vector<16xi32>
        %and3A_199 = arith.andi %eq3A_198, %lt3A_195 : vector<16xi1>
        %swap3A = arith.index_cast %while3A_186 : i32 to index
        %swap3A_200 = tpu.vector_load %arg7[%swap3A] masked %and3A_199 {strides = array<i32>} : memref<16400xi32, #tpu.memory_space<vmem>>, vector<16xi32>, vector<16xi1>
        tpu.vector_store %arg7[%swap3A], %get3A_189 masked %and3A_199 {strides = array<i32>} : memref<16400xi32, #tpu.memory_space<vmem>>, vector<16xi32>, vector<16xi1>
        %all_reduce_population_count3A = tpu.all_reduce %and3A_199 {dim = 0 : i64, kind = #tpu.reduction_kind<sum>} : vector<16xi1> -> vector<16xi32>
        %slice3A = vector.extract_strided_slice %all_reduce_population_count3A {offsets = [0], sizes = [1], strides = [1]} : vector<16xi32> to vector<1xi32>
        %squeeze3A = vector.extract %slice3A[0] : i32 from vector<1xi32>
        %add3A_201 = arith.addi %while3A_186, %squeeze3A : i32
        scf.yield %add3A_201 : i32
      }
      %while3A_151 = arith.constant 1 : i32
      %while3A_152 = scf.for %while3A_185 = %while3A_148 to %while3A_144 step %while3A_151 iter_args(%while3A_186 = %while3A_150) -> (i32)  : i32 {
        %mul3A_187 = arith.constant 16 : i32
        %mul3A_188 = arith.muli %while3A_185, %mul3A_187 : i32
        %get3A = arith.index_cast %mul3A_188 : i32 to index
        %get3A_189 = tpu.vector_load %arg6[%get3A] {strides = array<i32>} : memref<16400xi32, #tpu.memory_space<vmem>>, vector<16xi32>,
        %iota3A = tpu.iota {dimensions = array<i32: 0>} : vector<16xi32>
        %mul3A_190 = arith.constant 16 : i32
        %mul3A_191 = arith.muli %while3A_185, %mul3A_190 : i32
        %add3A_192 = vector.broadcast %mul3A_191 : i32 to vector<16xi32>
        %add3A_193 = arith.addi %iota3A, %add3A_192 : vector<16xi32>
        %lt3A_194 = vector.broadcast %scan3A_69#0 : i32 to vector<16xi32>
        %lt3A_195 = arith.cmpi slt, %add3A_193, %lt3A_194 : vector<16xi32>
        %shift_right_logical3A = arith.constant 23 : i32
        %shift_right_logical3A_196 = vector.broadcast %shift_right_logical3A : i32 to vector<16xi32>
        %shift_right_logical3A_197 = arith.shrui %get3A_189, %shift_right_logical3A_196 : vector<16xi32>
        %eq3A = vector.broadcast %while3A_109 : i32 to vector<16xi32>
        %eq3A_198 = arith.cmpi eq, %shift_right_logical3A_197, %eq3A : vector<16xi32>
        %and3A_199 = arith.andi %eq3A_198, %lt3A_195 : vector<16xi1>
        %swap3A = arith.index_cast %while3A_186 : i32 to index
        %swap3A_200 = tpu.vector_load %arg7[%swap3A] masked %and3A_199 {strides = array<i32>} : memref<16400xi32, #tpu.memory_space<vmem>>, vector<16xi32>, vector<16xi1>
        tpu.vector_store %arg7[%swap3A], %get3A_189 masked %and3A_199 {strides = array<i32>} : memref<16400xi32, #tpu.memory_space<vmem>>, vector<16xi32>, vector<16xi1>
        %all_reduce_population_count3A = tpu.all_reduce %and3A_199 {dim = 0 : i64, kind = #tpu.reduction_kind<sum>} : vector<16xi1> -> vector<16xi32>
        %slice3A = vector.extract_strided_slice %all_reduce_population_count3A {offsets = [0], sizes = [1], strides = [1]} : vector<16xi32> to vector<1xi32>
        %squeeze3A = vector.extract %slice3A[0] : i32 from vector<1xi32>
        %add3A_201 = arith.addi %while3A_186, %squeeze3A : i32
        scf.yield %add3A_201 : i32
      }
      %dma_wait3A_153 = arith.constant 0 : i32
      %dma_wait3A_154 = arith.constant 0 : i32
      %dma_wait3A_155 = tpu.memref_slice %arg9[%rem3A_112, %dma_wait3A_153, %dma_wait3A_154] : memref<2x64x512xf32, #tpu.memory_space<vmem>> -> memref<1x64x512xf32, #tpu.memory_space<vmem>>
      %dma_wait3A_156 = tpu.memref_squeeze %dma_wait3A_155 : memref<1x64x512xf32, #tpu.memory_space<vmem>> -> memref<64x512xf32, #tpu.memory_space<vmem>>
      %dma_wait3A_157 = arith.constant 0 : i32
      %dma_wait3A_158 = arith.constant 0 : i32
      %dma_wait3A_159 = tpu.memref_slice %arg2[%dma_wait3A_157, %dma_wait3A_158] : memref<64x1000000xf32, #tpu.memory_space<hbm>> -> memref<64x512xf32, #tpu.memory_space<hbm>>
      %dma_wait3A_160 = tpu.memref_slice %arg12[%rem3A_112] : memref<2x!tpu.dma_semaphore, #tpu.memory_space<semaphore_mem>> -> memref<1x!tpu.dma_semaphore, #tpu.memory_space<semaphore_mem>>
      %dma_wait3A_161 = tpu.memref_squeeze %dma_wait3A_160 : memref<1x!tpu.dma_semaphore, #tpu.memory_space<semaphore_mem>> -> memref<!tpu.dma_semaphore, #tpu.memory_space<semaphore_mem>>
      %dma_wait3A_162 = arith.constant 0 : i32
      %dma_wait3A_163 = arith.constant 0 : i32
      %dma_wait3A_164 = tpu.memref_slice %arg9[%rem3A_112, %dma_wait3A_162, %dma_wait3A_163] : memref<2x64x512xf32, #tpu.memory_space<vmem>> -> memref<1x64x512xf32, #tpu.memory_space<vmem>>
      %dma_wait3A_165 = tpu.memref_squeeze %dma_wait3A_164 : memref<1x64x512xf32, #tpu.memory_space<vmem>> -> memref<64x512xf32, #tpu.memory_space<vmem>>
      %dma_wait3A_166 = arith.constant 0 : i32
      %dma_wait3A_167 = arith.constant 0 : i32
      %dma_wait3A_168 = tpu.memref_slice %arg2[%dma_wait3A_166, %dma_wait3A_167] : memref<64x1000000xf32, #tpu.memory_space<hbm>> -> memref<64x512xf32, #tpu.memory_space<hbm>>
      tpu.wait_dma2 semaphore(%dma_wait3A_161 : memref<!tpu.dma_semaphore, #tpu.memory_space<semaphore_mem>>) src(%dma_wait3A_168 : memref<64x512xf32, #tpu.memory_space<hbm>>) dst(%dma_wait3A_165 : memref<64x512xf32, #tpu.memory_space<vmem>>)
      %while3A_169 = arith.constant 0 : i32
      %while3A_170 = arith.subi %while3A_152, %while3A_169 : i32
      %while3A_171 = arith.addi %while3A_169, %while3A_170 : i32
      %while3A_172 = arith.constant 1 : i32
      %while3A_173 = arith.divsi %while3A_170, %while3A_172 : i32
      %while3A_174 = arith.muli %while3A_173, %while3A_172 : i32
      %while3A_175 = arith.addi %while3A_169, %while3A_174 : i32
      %while3A_176 = arith.constant 1 : i32
      %while3A_177 = scf.for %while3A_185 = %while3A_169 to %while3A_175 step %while3A_176 iter_args(%while3A_186 = %while3A_110) -> (i32)  : i32 {
        %get3A = arith.index_cast %while3A_185 : i32 to index
        %get3A_187 = tpu.vector_load %arg7[%get3A] {strides = array<i32>} : memref<16400xi32, #tpu.memory_space<vmem>>, vector<16xi32>,
        %slice3A = vector.extract_strided_slice %get3A_187 {offsets = [0], sizes = [1], strides = [1]} : vector<16xi32> to vector<1xi32>
        %squeeze3A = vector.extract %slice3A[0] : i32 from vector<1xi32>
        %and3A_188 = arith.constant 8388607 : i32
        %and3A_189 = arith.andi %squeeze3A, %and3A_188 : i32
        %shift_right_logical3A = arith.constant 14 : i32
        %shift_right_logical3A_190 = arith.shrui %and3A_189, %shift_right_logical3A : i32
        %and3A_191 = arith.constant 32767 : i32
        %and3A_192 = arith.andi %shift_right_logical3A_190, %and3A_191 : i32
        %and3A_193 = arith.constant 16383 : i32
        %and3A_194 = arith.andi %and3A_189, %and3A_193 : i32
        %rem3A_195 = arith.constant 32 : i32
        %rem3A_196 = arith.remsi %while3A_186, %rem3A_195 : i32
        %ge3A = arith.constant 32 : i32
        %ge3A_197 = arith.cmpi sge, %while3A_186, %ge3A : i32
        %convert_element_type3A_198 = arith.extui %ge3A_197 : i1 to i32
        %cond3A_199 = arith.constant 0 : i32
        %cond3A_200 = arith.cmpi ne, %convert_element_type3A_198, %cond3A_199 : i32
        scf.if %cond3A_200 {
          %dma_wait3A_259 = arith.constant 0 : i32
          %dma_wait3A_260 = arith.constant 0 : i32
          %dma_wait3A_261 = arith.constant 0 : i32
          %dma_wait3A_262 = tpu.memref_slice %arg11[%dma_wait3A_259, %dma_wait3A_260, %dma_wait3A_261] : memref<32x1x64xf32, #tpu.memory_space<vmem>> -> memref<1x1x64xf32, #tpu.memory_space<vmem>>
          %dma_wait3A_263 = arith.constant 0 : i32
          %dma_wait3A_264 = arith.constant 0 : i32
          %dma_wait3A_265 = tpu.memref_slice %arg4[%dma_wait3A_263, %dma_wait3A_264] : memref<16384x64xf32, #tpu.memory_space<hbm>> -> memref<1x64xf32, #tpu.memory_space<hbm>>
          %dma_wait3A_266 = arith.constant 0 : i32
          %dma_wait3A_267 = arith.constant 0 : i32
          %dma_wait3A_268 = arith.constant 0 : i32
          %dma_wait3A_269 = tpu.memref_slice %arg11[%dma_wait3A_266, %dma_wait3A_267, %dma_wait3A_268] : memref<32x1x64xf32, #tpu.memory_space<vmem>> -> memref<1x1x64xf32, #tpu.memory_space<vmem>>
          %dma_wait3A_270 = arith.constant 0 : i32
          %dma_wait3A_271 = arith.constant 0 : i32
          %dma_wait3A_272 = tpu.memref_slice %arg4[%dma_wait3A_270, %dma_wait3A_271] : memref<16384x64xf32, #tpu.memory_space<hbm>> -> memref<1x64xf32, #tpu.memory_space<hbm>>
          tpu.wait_dma2 semaphore(%arg13 : memref<!tpu.dma_semaphore, #tpu.memory_space<semaphore_mem>>) src(%dma_wait3A_272 : memref<1x64xf32, #tpu.memory_space<hbm>>) dst(%dma_wait3A_269 : memref<1x1x64xf32, #tpu.memory_space<vmem>>)
        } else {
        }
        %iota3A = tpu.iota {dimensions = array<i32: 0>} : vector<16xi32>
        %add3A_201 = arith.constant 0 : i32
        %add3A_202 = vector.broadcast %add3A_201 : i32 to vector<16xi32>
        %add3A_203 = arith.addi %iota3A, %add3A_202 : vector<16xi32>
        %broadcast_in_dim3A = vector.broadcast %and3A_192 : i32 to vector<16xi32>
        %broadcast_in_dim3A_204 = vector.broadcast %rem3A_112 : i32 to vector<16xi32>
        %gather3A = tpu.vector_load_idx %arg9[%broadcast_in_dim3A_204, %add3A_203, %broadcast_in_dim3A] : memref<2x64x512xf32, #tpu.memory_space<vmem>>[vector<16xi32>, vector<16xi32>, vector<16xi32>], vector<16xf32>,
        %swap3A = arith.constant 0 : i32
        %swap3A_205 = arith.index_cast %rem3A_196 : i32 to index
        %swap3A_206 = arith.index_cast %swap3A : i32 to index
        %swap3A_207 = arith.constant 0 : index
        %swap3A_208 = tpu.vector_load %arg11[%swap3A_205, %swap3A_206, %swap3A_207] {strides = array<i32>} : memref<32x1x64xf32, #tpu.memory_space<vmem>>, vector<16xf32>,
        tpu.vector_store %arg11[%swap3A_205, %swap3A_206, %swap3A_207], %gather3A {strides = array<i32>} : memref<32x1x64xf32, #tpu.memory_space<vmem>>, vector<16xf32>,
        %iota3A_209 = tpu.iota {dimensions = array<i32: 0>} : vector<16xi32>
        %add3A_210 = arith.constant 16 : i32
        %add3A_211 = vector.broadcast %add3A_210 : i32 to vector<16xi32>
        %add3A_212 = arith.addi %iota3A_209, %add3A_211 : vector<16xi32>
        %broadcast_in_dim3A_213 = vector.broadcast %and3A_192 : i32 to vector<16xi32>
        %broadcast_in_dim3A_214 = vector.broadcast %rem3A_112 : i32 to vector<16xi32>
        %gather3A_215 = tpu.vector_load_idx %arg9[%broadcast_in_dim3A_214, %add3A_212, %broadcast_in_dim3A_213] : memref<2x64x512xf32, #tpu.memory_space<vmem>>[vector<16xi32>, vector<16xi32>, vector<16xi32>], vector<16xf32>,
        %swap3A_216 = arith.constant 0 : i32
        %swap3A_217 = arith.index_cast %rem3A_196 : i32 to index
        %swap3A_218 = arith.index_cast %swap3A_216 : i32 to index
        %swap3A_219 = arith.constant 16 : index
        %swap3A_220 = tpu.vector_load %arg11[%swap3A_217, %swap3A_218, %swap3A_219] {strides = array<i32>} : memref<32x1x64xf32, #tpu.memory_space<vmem>>, vector<16xf32>,
        tpu.vector_store %arg11[%swap3A_217, %swap3A_218, %swap3A_219], %gather3A_215 {strides = array<i32>} : memref<32x1x64xf32, #tpu.memory_space<vmem>>, vector<16xf32>,
        %iota3A_221 = tpu.iota {dimensions = array<i32: 0>} : vector<16xi32>
        %add3A_222 = arith.constant 32 : i32
        %add3A_223 = vector.broadcast %add3A_222 : i32 to vector<16xi32>
        %add3A_224 = arith.addi %iota3A_221, %add3A_223 : vector<16xi32>
        %broadcast_in_dim3A_225 = vector.broadcast %and3A_192 : i32 to vector<16xi32>
        %broadcast_in_dim3A_226 = vector.broadcast %rem3A_112 : i32 to vector<16xi32>
        %gather3A_227 = tpu.vector_load_idx %arg9[%broadcast_in_dim3A_226, %add3A_224, %broadcast_in_dim3A_225] : memref<2x64x512xf32, #tpu.memory_space<vmem>>[vector<16xi32>, vector<16xi32>, vector<16xi32>], vector<16xf32>,
        %swap3A_228 = arith.constant 0 : i32
        %swap3A_229 = arith.index_cast %rem3A_196 : i32 to index
        %swap3A_230 = arith.index_cast %swap3A_228 : i32 to index
        %swap3A_231 = arith.constant 32 : index
        %swap3A_232 = tpu.vector_load %arg11[%swap3A_229, %swap3A_230, %swap3A_231] {strides = array<i32>} : memref<32x1x64xf32, #tpu.memory_space<vmem>>, vector<16xf32>,
        tpu.vector_store %arg11[%swap3A_229, %swap3A_230, %swap3A_231], %gather3A_227 {strides = array<i32>} : memref<32x1x64xf32, #tpu.memory_space<vmem>>, vector<16xf32>,
        %iota3A_233 = tpu.iota {dimensions = array<i32: 0>} : vector<16xi32>
        %add3A_234 = arith.constant 48 : i32
        %add3A_235 = vector.broadcast %add3A_234 : i32 to vector<16xi32>
        %add3A_236 = arith.addi %iota3A_233, %add3A_235 : vector<16xi32>
        %broadcast_in_dim3A_237 = vector.broadcast %and3A_192 : i32 to vector<16xi32>
        %broadcast_in_dim3A_238 = vector.broadcast %rem3A_112 : i32 to vector<16xi32>
        %gather3A_239 = tpu.vector_load_idx %arg9[%broadcast_in_dim3A_238, %add3A_236, %broadcast_in_dim3A_237] : memref<2x64x512xf32, #tpu.memory_space<vmem>>[vector<16xi32>, vector<16xi32>, vector<16xi32>], vector<16xf32>,
        %swap3A_240 = arith.constant 0 : i32
        %swap3A_241 = arith.index_cast %rem3A_196 : i32 to index
        %swap3A_242 = arith.index_cast %swap3A_240 : i32 to index
        %swap3A_243 = arith.constant 48 : index
        %swap3A_244 = tpu.vector_load %arg11[%swap3A_241, %swap3A_242, %swap3A_243] {strides = array<i32>} : memref<32x1x64xf32, #tpu.memory_space<vmem>>, vector<16xf32>,
        tpu.vector_store %arg11[%swap3A_241, %swap3A_242, %swap3A_243], %gather3A_239 {strides = array<i32>} : memref<32x1x64xf32, #tpu.memory_space<vmem>>, vector<16xf32>,
        %dma_start3A_245 = arith.constant 0 : i32
        %dma_start3A_246 = arith.constant 0 : i32
        %dma_start3A_247 = tpu.memref_slice %arg11[%rem3A_196, %dma_start3A_245, %dma_start3A_246] : memref<32x1x64xf32, #tpu.memory_space<vmem>> -> memref<1x1x64xf32, #tpu.memory_space<vmem>>
        %dma_start3A_248 = tpu.memref_squeeze %dma_start3A_247 : memref<1x1x64xf32, #tpu.memory_space<vmem>> -> memref<1x64xf32, #tpu.memory_space<vmem>>
        %dma_start3A_249 = arith.constant 0 : i32
        %dma_start3A_250 = tpu.memref_slice %arg4[%and3A_194, %dma_start3A_249] : memref<16384x64xf32, #tpu.memory_space<hbm>> -> memref<1x64xf32, #tpu.memory_space<hbm>>
        %dma_start3A_251 = arith.constant 0 : i32
        %dma_start3A_252 = tpu.memref_slice %arg4[%and3A_194, %dma_start3A_251] : memref<16384x64xf32, #tpu.memory_space<hbm>> -> memref<1x64xf32, #tpu.memory_space<hbm>>
        %dma_start3A_253 = arith.constant 0 : i32
        %dma_start3A_254 = arith.constant 0 : i32
        %dma_start3A_255 = tpu.memref_slice %arg11[%rem3A_196, %dma_start3A_253, %dma_start3A_254] : memref<32x1x64xf32, #tpu.memory_space<vmem>> -> memref<1x1x64xf32, #tpu.memory_space<vmem>>
        %dma_start3A_256 = tpu.memref_squeeze %dma_start3A_255 : memref<1x1x64xf32, #tpu.memory_space<vmem>> -> memref<1x64xf32, #tpu.memory_space<vmem>>
        tpu.enqueue_dma source(%dma_start3A_256 : memref<1x64xf32, #tpu.memory_space<vmem>>) target(%dma_start3A_252 : memref<1x64xf32, #tpu.memory_space<hbm>>) target_semaphore(%arg13 : memref<!tpu.dma_semaphore, #tpu.memory_space<semaphore_mem>>)
        %add3A_257 = arith.constant 1 : i32
        %add3A_258 = arith.addi %while3A_186, %add3A_257 : i32
        scf.yield %add3A_258 : i32
      }
      %while3A_178 = arith.constant 1 : i32
      %while3A_179 = scf.for %while3A_185 = %while3A_175 to %while3A_171 step %while3A_178 iter_args(%while3A_186 = %while3A_177) -> (i32)  : i32 {
        %get3A = arith.index_cast %while3A_185 : i32 to index
        %get3A_187 = tpu.vector_load %arg7[%get3A] {strides = array<i32>} : memref<16400xi32, #tpu.memory_space<vmem>>, vector<16xi32>,
        %slice3A = vector.extract_strided_slice %get3A_187 {offsets = [0], sizes = [1], strides = [1]} : vector<16xi32> to vector<1xi32>
        %squeeze3A = vector.extract %slice3A[0] : i32 from vector<1xi32>
        %and3A_188 = arith.constant 8388607 : i32
        %and3A_189 = arith.andi %squeeze3A, %and3A_188 : i32
        %shift_right_logical3A = arith.constant 14 : i32
        %shift_right_logical3A_190 = arith.shrui %and3A_189, %shift_right_logical3A : i32
        %and3A_191 = arith.constant 32767 : i32
        %and3A_192 = arith.andi %shift_right_logical3A_190, %and3A_191 : i32
        %and3A_193 = arith.constant 16383 : i32
        %and3A_194 = arith.andi %and3A_189, %and3A_193 : i32
        %rem3A_195 = arith.constant 32 : i32
        %rem3A_196 = arith.remsi %while3A_186, %rem3A_195 : i32
        %ge3A = arith.constant 32 : i32
        %ge3A_197 = arith.cmpi sge, %while3A_186, %ge3A : i32
        %convert_element_type3A_198 = arith.extui %ge3A_197 : i1 to i32
        %cond3A_199 = arith.constant 0 : i32
        %cond3A_200 = arith.cmpi ne, %convert_element_type3A_198, %cond3A_199 : i32
        scf.if %cond3A_200 {
          %dma_wait3A_259 = arith.constant 0 : i32
          %dma_wait3A_260 = arith.constant 0 : i32
          %dma_wait3A_261 = arith.constant 0 : i32
          %dma_wait3A_262 = tpu.memref_slice %arg11[%dma_wait3A_259, %dma_wait3A_260, %dma_wait3A_261] : memref<32x1x64xf32, #tpu.memory_space<vmem>> -> memref<1x1x64xf32, #tpu.memory_space<vmem>>
          %dma_wait3A_263 = arith.constant 0 : i32
          %dma_wait3A_264 = arith.constant 0 : i32
          %dma_wait3A_265 = tpu.memref_slice %arg4[%dma_wait3A_263, %dma_wait3A_264] : memref<16384x64xf32, #tpu.memory_space<hbm>> -> memref<1x64xf32, #tpu.memory_space<hbm>>
          %dma_wait3A_266 = arith.constant 0 : i32
          %dma_wait3A_267 = arith.constant 0 : i32
          %dma_wait3A_268 = arith.constant 0 : i32
          %dma_wait3A_269 = tpu.memref_slice %arg11[%dma_wait3A_266, %dma_wait3A_267, %dma_wait3A_268] : memref<32x1x64xf32, #tpu.memory_space<vmem>> -> memref<1x1x64xf32, #tpu.memory_space<vmem>>
          %dma_wait3A_270 = arith.constant 0 : i32
          %dma_wait3A_271 = arith.constant 0 : i32
          %dma_wait3A_272 = tpu.memref_slice %arg4[%dma_wait3A_270, %dma_wait3A_271] : memref<16384x64xf32, #tpu.memory_space<hbm>> -> memref<1x64xf32, #tpu.memory_space<hbm>>
          tpu.wait_dma2 semaphore(%arg13 : memref<!tpu.dma_semaphore, #tpu.memory_space<semaphore_mem>>) src(%dma_wait3A_272 : memref<1x64xf32, #tpu.memory_space<hbm>>) dst(%dma_wait3A_269 : memref<1x1x64xf32, #tpu.memory_space<vmem>>)
        } else {
        }
        %iota3A = tpu.iota {dimensions = array<i32: 0>} : vector<16xi32>
        %add3A_201 = arith.constant 0 : i32
        %add3A_202 = vector.broadcast %add3A_201 : i32 to vector<16xi32>
        %add3A_203 = arith.addi %iota3A, %add3A_202 : vector<16xi32>
        %broadcast_in_dim3A = vector.broadcast %and3A_192 : i32 to vector<16xi32>
        %broadcast_in_dim3A_204 = vector.broadcast %rem3A_112 : i32 to vector<16xi32>
        %gather3A = tpu.vector_load_idx %arg9[%broadcast_in_dim3A_204, %add3A_203, %broadcast_in_dim3A] : memref<2x64x512xf32, #tpu.memory_space<vmem>>[vector<16xi32>, vector<16xi32>, vector<16xi32>], vector<16xf32>,
        %swap3A = arith.constant 0 : i32
        %swap3A_205 = arith.index_cast %rem3A_196 : i32 to index
        %swap3A_206 = arith.index_cast %swap3A : i32 to index
        %swap3A_207 = arith.constant 0 : index
        %swap3A_208 = tpu.vector_load %arg11[%swap3A_205, %swap3A_206, %swap3A_207] {strides = array<i32>} : memref<32x1x64xf32, #tpu.memory_space<vmem>>, vector<16xf32>,
        tpu.vector_store %arg11[%swap3A_205, %swap3A_206, %swap3A_207], %gather3A {strides = array<i32>} : memref<32x1x64xf32, #tpu.memory_space<vmem>>, vector<16xf32>,
        %iota3A_209 = tpu.iota {dimensions = array<i32: 0>} : vector<16xi32>
        %add3A_210 = arith.constant 16 : i32
        %add3A_211 = vector.broadcast %add3A_210 : i32 to vector<16xi32>
        %add3A_212 = arith.addi %iota3A_209, %add3A_211 : vector<16xi32>
        %broadcast_in_dim3A_213 = vector.broadcast %and3A_192 : i32 to vector<16xi32>
        %broadcast_in_dim3A_214 = vector.broadcast %rem3A_112 : i32 to vector<16xi32>
        %gather3A_215 = tpu.vector_load_idx %arg9[%broadcast_in_dim3A_214, %add3A_212, %broadcast_in_dim3A_213] : memref<2x64x512xf32, #tpu.memory_space<vmem>>[vector<16xi32>, vector<16xi32>, vector<16xi32>], vector<16xf32>,
        %swap3A_216 = arith.constant 0 : i32
        %swap3A_217 = arith.index_cast %rem3A_196 : i32 to index
        %swap3A_218 = arith.index_cast %swap3A_216 : i32 to index
        %swap3A_219 = arith.constant 16 : index
        %swap3A_220 = tpu.vector_load %arg11[%swap3A_217, %swap3A_218, %swap3A_219] {strides = array<i32>} : memref<32x1x64xf32, #tpu.memory_space<vmem>>, vector<16xf32>,
        tpu.vector_store %arg11[%swap3A_217, %swap3A_218, %swap3A_219], %gather3A_215 {strides = array<i32>} : memref<32x1x64xf32, #tpu.memory_space<vmem>>, vector<16xf32>,
        %iota3A_221 = tpu.iota {dimensions = array<i32: 0>} : vector<16xi32>
        %add3A_222 = arith.constant 32 : i32
        %add3A_223 = vector.broadcast %add3A_222 : i32 to vector<16xi32>
        %add3A_224 = arith.addi %iota3A_221, %add3A_223 : vector<16xi32>
        %broadcast_in_dim3A_225 = vector.broadcast %and3A_192 : i32 to vector<16xi32>
        %broadcast_in_dim3A_226 = vector.broadcast %rem3A_112 : i32 to vector<16xi32>
        %gather3A_227 = tpu.vector_load_idx %arg9[%broadcast_in_dim3A_226, %add3A_224, %broadcast_in_dim3A_225] : memref<2x64x512xf32, #tpu.memory_space<vmem>>[vector<16xi32>, vector<16xi32>, vector<16xi32>], vector<16xf32>,
        %swap3A_228 = arith.constant 0 : i32
        %swap3A_229 = arith.index_cast %rem3A_196 : i32 to index
        %swap3A_230 = arith.index_cast %swap3A_228 : i32 to index
        %swap3A_231 = arith.constant 32 : index
        %swap3A_232 = tpu.vector_load %arg11[%swap3A_229, %swap3A_230, %swap3A_231] {strides = array<i32>} : memref<32x1x64xf32, #tpu.memory_space<vmem>>, vector<16xf32>,
        tpu.vector_store %arg11[%swap3A_229, %swap3A_230, %swap3A_231], %gather3A_227 {strides = array<i32>} : memref<32x1x64xf32, #tpu.memory_space<vmem>>, vector<16xf32>,
        %iota3A_233 = tpu.iota {dimensions = array<i32: 0>} : vector<16xi32>
        %add3A_234 = arith.constant 48 : i32
        %add3A_235 = vector.broadcast %add3A_234 : i32 to vector<16xi32>
        %add3A_236 = arith.addi %iota3A_233, %add3A_235 : vector<16xi32>
        %broadcast_in_dim3A_237 = vector.broadcast %and3A_192 : i32 to vector<16xi32>
        %broadcast_in_dim3A_238 = vector.broadcast %rem3A_112 : i32 to vector<16xi32>
        %gather3A_239 = tpu.vector_load_idx %arg9[%broadcast_in_dim3A_238, %add3A_236, %broadcast_in_dim3A_237] : memref<2x64x512xf32, #tpu.memory_space<vmem>>[vector<16xi32>, vector<16xi32>, vector<16xi32>], vector<16xf32>,
        %swap3A_240 = arith.constant 0 : i32
        %swap3A_241 = arith.index_cast %rem3A_196 : i32 to index
        %swap3A_242 = arith.index_cast %swap3A_240 : i32 to index
        %swap3A_243 = arith.constant 48 : index
        %swap3A_244 = tpu.vector_load %arg11[%swap3A_241, %swap3A_242, %swap3A_243] {strides = array<i32>} : memref<32x1x64xf32, #tpu.memory_space<vmem>>, vector<16xf32>,
        tpu.vector_store %arg11[%swap3A_241, %swap3A_242, %swap3A_243], %gather3A_239 {strides = array<i32>} : memref<32x1x64xf32, #tpu.memory_space<vmem>>, vector<16xf32>,
        %dma_start3A_245 = arith.constant 0 : i32
        %dma_start3A_246 = arith.constant 0 : i32
        %dma_start3A_247 = tpu.memref_slice %arg11[%rem3A_196, %dma_start3A_245, %dma_start3A_246] : memref<32x1x64xf32, #tpu.memory_space<vmem>> -> memref<1x1x64xf32, #tpu.memory_space<vmem>>
        %dma_start3A_248 = tpu.memref_squeeze %dma_start3A_247 : memref<1x1x64xf32, #tpu.memory_space<vmem>> -> memref<1x64xf32, #tpu.memory_space<vmem>>
        %dma_start3A_249 = arith.constant 0 : i32
        %dma_start3A_250 = tpu.memref_slice %arg4[%and3A_194, %dma_start3A_249] : memref<16384x64xf32, #tpu.memory_space<hbm>> -> memref<1x64xf32, #tpu.memory_space<hbm>>
        %dma_start3A_251 = arith.constant 0 : i32
        %dma_start3A_252 = tpu.memref_slice %arg4[%and3A_194, %dma_start3A_251] : memref<16384x64xf32, #tpu.memory_space<hbm>> -> memref<1x64xf32, #tpu.memory_space<hbm>>
        %dma_start3A_253 = arith.constant 0 : i32
        %dma_start3A_254 = arith.constant 0 : i32
        %dma_start3A_255 = tpu.memref_slice %arg11[%rem3A_196, %dma_start3A_253, %dma_start3A_254] : memref<32x1x64xf32, #tpu.memory_space<vmem>> -> memref<1x1x64xf32, #tpu.memory_space<vmem>>
        %dma_start3A_256 = tpu.memref_squeeze %dma_start3A_255 : memref<1x1x64xf32, #tpu.memory_space<vmem>> -> memref<1x64xf32, #tpu.memory_space<vmem>>
        tpu.enqueue_dma source(%dma_start3A_256 : memref<1x64xf32, #tpu.memory_space<vmem>>) target(%dma_start3A_252 : memref<1x64xf32, #tpu.memory_space<hbm>>) target_semaphore(%arg13 : memref<!tpu.dma_semaphore, #tpu.memory_space<semaphore_mem>>)
        %add3A_257 = arith.constant 1 : i32
        %add3A_258 = arith.addi %while3A_186, %add3A_257 : i32
        scf.yield %add3A_258 : i32
      }
      %add3A_180 = arith.constant 2 : i32
      %add3A_181 = arith.addi %while3A_109, %add3A_180 : i32
      %lt3A = arith.cmpi slt, %add3A_181, %sub3A_49 : i32
      %convert_element_type3A_182 = arith.extui %lt3A : i1 to i32
      %cond3A_183 = arith.constant 0 : i32
      %cond3A_184 = arith.cmpi ne, %convert_element_type3A_182, %cond3A_183 : i32
      scf.if %cond3A_184 {
        %add3A_185 = arith.constant 2 : i32
        %add3A_186 = arith.addi %while3A_109, %add3A_185 : i32
        %mul3A_187 = arith.constant 512 : i32
        %mul3A_188 = arith.muli %add3A_186, %mul3A_187 : i32
        %add3A_189 = arith.addi %mul3A_48, %mul3A_188 : i32
        %dma_start3A_190 = arith.constant 0 : i32
        %dma_start3A_191 = arith.constant 0 : i32
        %dma_start3A_192 = tpu.memref_slice %arg9[%rem3A_112, %dma_start3A_190, %dma_start3A_191] : memref<2x64x512xf32, #tpu.memory_space<vmem>> -> memref<1x64x512xf32, #tpu.memory_space<vmem>>
        %dma_start3A_193 = tpu.memref_squeeze %dma_start3A_192 : memref<1x64x512xf32, #tpu.memory_space<vmem>> -> memref<64x512xf32, #tpu.memory_space<vmem>>
        %dma_start3A_194 = arith.constant 0 : i32
        %dma_start3A_195 = tpu.memref_slice %arg2[%dma_start3A_194, %add3A_189] : memref<64x1000000xf32, #tpu.memory_space<hbm>> -> memref<64x512xf32, #tpu.memory_space<hbm>>
        %dma_start3A_196 = tpu.memref_slice %arg12[%rem3A_112] : memref<2x!tpu.dma_semaphore, #tpu.memory_space<semaphore_mem>> -> memref<1x!tpu.dma_semaphore, #tpu.memory_space<semaphore_mem>>
        %dma_start3A_197 = tpu.memref_squeeze %dma_start3A_196 : memref<1x!tpu.dma_semaphore, #tpu.memory_space<semaphore_mem>> -> memref<!tpu.dma_semaphore, #tpu.memory_space<semaphore_mem>>
        %dma_start3A_198 = arith.constant 0 : i32
        %dma_start3A_199 = arith.constant 0 : i32
        %dma_start3A_200 = tpu.memref_slice %arg9[%rem3A_112, %dma_start3A_198, %dma_start3A_199] : memref<2x64x512xf32, #tpu.memory_space<vmem>> -> memref<1x64x512xf32, #tpu.memory_space<vmem>>
        %dma_start3A_201 = tpu.memref_squeeze %dma_start3A_200 : memref<1x64x512xf32, #tpu.memory_space<vmem>> -> memref<64x512xf32, #tpu.memory_space<vmem>>
        %dma_start3A_202 = arith.constant 0 : i32
        %dma_start3A_203 = tpu.memref_slice %arg2[%dma_start3A_202, %add3A_189] : memref<64x1000000xf32, #tpu.memory_space<hbm>> -> memref<64x512xf32, #tpu.memory_space<hbm>>
        tpu.enqueue_dma source(%dma_start3A_203 : memref<64x512xf32, #tpu.memory_space<hbm>>) target(%dma_start3A_201 : memref<64x512xf32, #tpu.memory_space<vmem>>) target_semaphore(%dma_start3A_197 : memref<!tpu.dma_semaphore, #tpu.memory_space<semaphore_mem>>)
      } else {
      }
      scf.yield %while3A_179 : i32
    }
    %min3A = arith.constant 32 : i32
    %min3A_98 = arith.minsi %while3A_97, %min3A : i32
    %while3A_99 = arith.constant 0 : i32
    %while3A_100 = arith.constant 0 : i32
    %while3A_101 = arith.subi %min3A_98, %while3A_100 : i32
    %while3A_102 = arith.addi %while3A_100, %while3A_101 : i32
    %while3A_103 = arith.constant 1 : i32
    %while3A_104 = arith.divsi %while3A_101, %while3A_103 : i32
    %while3A_105 = arith.muli %while3A_104, %while3A_103 : i32
    %while3A_106 = arith.addi %while3A_100, %while3A_105 : i32
    %while3A_107 = arith.constant 1 : i32
    scf.for %while3A_109 = %while3A_100 to %while3A_106 step %while3A_107  : i32 {
      %dma_wait3A_110 = arith.constant 0 : i32
      %dma_wait3A_111 = arith.constant 0 : i32
      %dma_wait3A_112 = arith.constant 0 : i32
      %dma_wait3A_113 = tpu.memref_slice %arg11[%dma_wait3A_110, %dma_wait3A_111, %dma_wait3A_112] : memref<32x1x64xf32, #tpu.memory_space<vmem>> -> memref<1x1x64xf32, #tpu.memory_space<vmem>>
      %dma_wait3A_114 = arith.constant 0 : i32
      %dma_wait3A_115 = arith.constant 0 : i32
      %dma_wait3A_116 = tpu.memref_slice %arg4[%dma_wait3A_114, %dma_wait3A_115] : memref<16384x64xf32, #tpu.memory_space<hbm>> -> memref<1x64xf32, #tpu.memory_space<hbm>>
      %dma_wait3A_117 = arith.constant 0 : i32
      %dma_wait3A_118 = arith.constant 0 : i32
      %dma_wait3A_119 = arith.constant 0 : i32
      %dma_wait3A_120 = tpu.memref_slice %arg11[%dma_wait3A_117, %dma_wait3A_118, %dma_wait3A_119] : memref<32x1x64xf32, #tpu.memory_space<vmem>> -> memref<1x1x64xf32, #tpu.memory_space<vmem>>
      %dma_wait3A_121 = arith.constant 0 : i32
      %dma_wait3A_122 = arith.constant 0 : i32
      %dma_wait3A_123 = tpu.memref_slice %arg4[%dma_wait3A_121, %dma_wait3A_122] : memref<16384x64xf32, #tpu.memory_space<hbm>> -> memref<1x64xf32, #tpu.memory_space<hbm>>
      tpu.wait_dma2 semaphore(%arg13 : memref<!tpu.dma_semaphore, #tpu.memory_space<semaphore_mem>>) src(%dma_wait3A_123 : memref<1x64xf32, #tpu.memory_space<hbm>>) dst(%dma_wait3A_120 : memref<1x1x64xf32, #tpu.memory_space<vmem>>)
    }
    %while3A_108 = arith.constant 1 : i32
    scf.for %while3A_109 = %while3A_106 to %while3A_102 step %while3A_108  : i32 {
      %dma_wait3A_110 = arith.constant 0 : i32
      %dma_wait3A_111 = arith.constant 0 : i32
      %dma_wait3A_112 = arith.constant 0 : i32
      %dma_wait3A_113 = tpu.memref_slice %arg11[%dma_wait3A_110, %dma_wait3A_111, %dma_wait3A_112] : memref<32x1x64xf32, #tpu.memory_space<vmem>> -> memref<1x1x64xf32, #tpu.memory_space<vmem>>
      %dma_wait3A_114 = arith.constant 0 : i32
      %dma_wait3A_115 = arith.constant 0 : i32
      %dma_wait3A_116 = tpu.memref_slice %arg4[%dma_wait3A_114, %dma_wait3A_115] : memref<16384x64xf32, #tpu.memory_space<hbm>> -> memref<1x64xf32, #tpu.memory_space<hbm>>
      %dma_wait3A_117 = arith.constant 0 : i32
      %dma_wait3A_118 = arith.constant 0 : i32
      %dma_wait3A_119 = arith.constant 0 : i32
      %dma_wait3A_120 = tpu.memref_slice %arg11[%dma_wait3A_117, %dma_wait3A_118, %dma_wait3A_119] : memref<32x1x64xf32, #tpu.memory_space<vmem>> -> memref<1x1x64xf32, #tpu.memory_space<vmem>>
      %dma_wait3A_121 = arith.constant 0 : i32
      %dma_wait3A_122 = arith.constant 0 : i32
      %dma_wait3A_123 = tpu.memref_slice %arg4[%dma_wait3A_121, %dma_wait3A_122] : memref<16384x64xf32, #tpu.memory_space<hbm>> -> memref<1x64xf32, #tpu.memory_space<hbm>>
      tpu.wait_dma2 semaphore(%arg13 : memref<!tpu.dma_semaphore, #tpu.memory_space<semaphore_mem>>) src(%dma_wait3A_123 : memref<1x64xf32, #tpu.memory_space<hbm>>) dst(%dma_wait3A_120 : memref<1x1x64xf32, #tpu.memory_space<vmem>>)
    }
    return
  }
}

</mosaic_0001>

<sc_bundles>
// kernel: kernel.3.cloned.1.call-start
scs
__scs_entry_jumppad:
0x0: {  	(pc) =	sbr.rel $0x88, $3  }
0x1: {  	(tag) =	ssettag $0x0;
	lr =	simm.s32 $0x1  }
0x2: {  	[smem:$0x3F9F] =	sst lr;
	_ =	strace $0xD0000000  }
0x3: {  	_ = 	snop  }
0x4: {  	_ = 	snop  }
0x5: {  	_ = 	snop  }
0x6: {  	_ = 	snop  }
0x7: {  	_ = 	snop  }
__scs_overlays_trampoline_lowered:
0x8: {  	[smem:$0x3FAE] =	sst s0  }
0x9: {  	[smem:$0x3FAF] =	sst s1  }
0xa: {  	[smem:$0x3FB0] =	sst s2  }
0xb: {  	[smem:$0x3FB1] =	sst s3  }
0xc: {  	[smem:$0x3FB2] =	sst s4  }
0xd: {  	[smem:$0x3FB3] =	sst s5  }
0xe: {  	[smem:$0x3FB4] =	sst s6  }
0xf: {  	[smem:$0x3FB5] =	sst s7  }
0x10: {  	[smem:$0x3FB6] =	sst s8  }
0x11: {  	[smem:$0x3FB7] =	sst s9;
	s0 =	simm.s32 @!p0 $0x0  }
0x12: {  	s1 =	sld [smem:$0x3F9D];
	s0 =	simm.s32 @p0 $0x1  }
0x13: {  	[smem:$0x3FB8] =	sst s0;
	s0 =	simm.s32 @!p1 $0x0  }
0x14: {  	s2 =	sld [smem:$0x3F9C];
	s0 =	simm.s32 @p1 $0x1  }
0x15: {  	[smem:$0x3FB9] =	sst s0;
	s0 =	simm.s32 @!p2 $0x0  }
0x16: {  	s3 =	sld [smem:$0x3FDB];
	s0 =	simm.s32 @p2 $0x1  }
0x17: {  	s4 =	simm.s32 $0x1BF5;
	[smem:$0x3FBB] =	sst s0  }
0x18: {  	s0 =	sld [smem:$0x3F9E];
	_ =	swait.ge [sflag:s4], $0x0  }
0x19: {  	s7 =	sld [smem:$0x3F9F]  }
0x1a: {  	s8 =	sadd.s32 $0xFFFFE003, lr  }
0x1b: {  	s9 =	sadd.s32 $0xFFFFFEF7, lr;
	s5 =	simm.s32 $0xFFFFFFFF;
	p2 =	slt.u32 s8, $0xFFFFF086  }
0x1c: {  	p1 =	slt.u32 s9, $0xF7A;
	s5 =	simm.s32 @!p2 $0x0  }
0x1d: {  	s5 =	simm.s32 @p1 $0x1;
	p0 =	seq.s32 s7, s2  }
0x1e: {  	s7 =	smul.u32 @!p0 $0xF7A, s2;
	p2 =	seq.s32 @!p0 s5, $0x0  }
0x1f: {  	s9 =	smul.u32 $0xF7A, s1;
	s8 =	simm.s32 @!p0 $0x1BF5;
	p2 =	por !p2, p0  }
0x20: {  	[sflag:s8] =	ssyncset.s32 @!p0 $0xFFFFF086;
	s6 =	sadd.s32 @!p0 s3, s7;
	s7 =	simm.s32 @!p0 $0x108  }
0x21: {  	s3 =	sadd.s32 s3, s9;
	s6 =	sadd.s32 @!p0 $0x88, s6;
	s7 =	simm.s32 @p2 $0x1082  }
0x22: {  	[simem:s7], [sflag:s8] =	dma.local @!p0 [hbm:s6], $0xF7A  }
0x23: {  	s9 =	sor.u32 $0xD0000000, s2;
	s6 =	simm.s32 $0x108;
	_ =	swait.ge @!p0 [sflag:s8], $0x0  }
0x24: {  	s3 =	sadd.s32 $0x88, s3;
	s6 =	simm.s32 @!p1 $0x1082;
	[sflag:s4] =	ssyncset.s32 $0xFFFFF086  }
0x25: {  	[simem:s6], [sflag:s4] =	dma.local [hbm:s3], $0xF7A  }
0x26: {  	[smem:$0x3F9F] =	sst s1;
	(tag) =	ssettag s2;
	_ =	strace s9  }
0x27: {  	s1 =	sld [smem:$0x3FAF]  }
0x28: {  	s2 =	sld [smem:$0x3FB0]  }
0x29: {  	s4 =	sld [smem:$0x3FB2]  }
0x2a: {  	p0 =	seq.s32 s5, $0x0;
	s5 =	sld [smem:$0x3FB3]  }
0x2b: {  	s6 =	sld [smem:$0x3FB4]  }
0x2c: {  	s7 =	sld [smem:$0x3FB5]  }
0x2d: {  	s3 =	simm.s32 $0x108;
	s8 =	sld [smem:$0x3FB6]  }
0x2e: {  	s3 =	simm.s32 @!p0 $0x1082;
	s9 =	sld [smem:$0x3FB7]  }
0x2f: {  	lr =	sadd.s32 s0, s3;
	s0 =	sld [smem:$0x3FAE]  }
0x30: {  	s3 =	sld [smem:$0x3FB1]  }
0x31: {  	[smem:$0x3FBA] =	sst s10  }
0x32: {  	s10 =	sld [smem:$0x3FB8];
	_ =	sdelay $0x3  }
0x33: {  	p0 =	seq.s32 s10, $0x1;
	s10 =	sld [smem:$0x3FBA];
	_ =	sdelay $0x3  }
0x34: {  	[smem:$0x3FBA] =	sst s10  }
0x35: {  	s10 =	sld [smem:$0x3FB9];
	_ =	sdelay $0x3  }
0x36: {  	p1 =	seq.s32 s10, $0x1;
	s10 =	sld [smem:$0x3FBA];
	_ =	sdelay $0x3  }
0x37: {  	[smem:$0x3FBA] =	sst s10  }
0x38: {  	s10 =	sld [smem:$0x3FBB]  }
0x39: {  	_ = 	snop;
	(pc) =	sbr.ind lr, $3  }
0x3a: {  	_ = 	snop  }
0x3b: {  	_ = 	snop  }
0x3c: {  	p2 =	seq.s32 s10, $0x1;
	s10 =	sld [smem:$0x3FBA]  }
0x3d: {  	_ =	shalt  }
0x3e: {  	_ =	shalt  }
0x3f: {  	_ =	shalt  }
0x40: {  	_ =	shalt  }
0x41: {  	_ =	shalt  }
0x42: {  	_ =	shalt  }
0x43: {  	_ =	shalt  }
0x44: {  	_ =	shalt  }
0x45: {  	_ =	shalt  }
0x46: {  	_ =	shalt  }
0x47: {  	_ =	shalt  }
0x48: {  	_ =	shalt  }
0x49: {  	_ =	shalt  }
0x4a: {  	_ =	shalt  }
0x4b: {  	_ =	shalt  }
0x4c: {  	_ =	shalt  }
0x4d: {  	_ =	shalt  }
0x4e: {  	_ =	shalt  }
0x4f: {  	_ =	shalt  }
0x50: {  	_ =	shalt  }
0x51: {  	_ =	shalt  }
0x52: {  	_ =	shalt  }
0x53: {  	_ =	shalt  }
0x54: {  	_ =	shalt  }
0x55: {  	_ =	shalt  }
0x56: {  	_ =	shalt  }
0x57: {  	_ =	shalt  }
0x58: {  	_ =	shalt  }
0x59: {  	_ =	shalt  }
0x5a: {  	_ =	shalt  }
0x5b: {  	_ =	shalt  }
0x5c: {  	_ =	shalt  }
0x5d: {  	_ =	shalt  }
0x5e: {  	_ =	shalt  }
0x5f: {  	_ =	shalt  }
0x60: {  	_ =	shalt  }
0x61: {  	_ =	shalt  }
0x62: {  	_ =	shalt  }
0x63: {  	_ =	shalt  }
0x64: {  	_ =	shalt  }
0x65: {  	_ =	shalt  }
0x66: {  	_ =	shalt  }
0x67: {  	_ =	shalt  }
0x68: {  	_ =	shalt  }
0x69: {  	_ =	shalt  }
0x6a: {  	_ =	shalt  }
0x6b: {  	_ =	shalt  }
0x6c: {  	_ =	shalt  }
0x6d: {  	_ =	shalt  }
0x6e: {  	_ =	shalt  }
0x6f: {  	_ =	shalt  }
0x70: {  	_ =	shalt  }
0x71: {  	_ =	shalt  }
0x72: {  	_ =	shalt  }
0x73: {  	_ =	shalt  }
0x74: {  	_ =	shalt  }
0x75: {  	_ =	shalt  }
0x76: {  	_ =	shalt  }
0x77: {  	_ =	shalt  }
0x78: {  	_ =	shalt  }
0x79: {  	_ =	shalt  }
0x7a: {  	_ =	shalt  }
0x7b: {  	_ =	shalt  }
0x7c: {  	_ =	shalt  }
0x7d: {  	_ =	shalt  }
0x7e: {  	_ =	shalt  }
0x7f: {  	_ =	shalt  }
0x80: {  	_ =	shalt  }
0x81: {  	_ =	shalt  }
0x82: {  	_ =	shalt  }
0x83: {  	_ =	shalt  }
0x84: {  	_ =	shalt  }
0x85: {  	_ =	shalt  }
0x86: {  	_ =	shalt  }
0x87: {  	_ =	shalt  }
.Lfunc_end0:
.L_simem_size_0:
called_computation_lowered:
.L_overlay_start_0:
0x88: {  	s2 =	sld [smem:$0x3FD9]  }
0x89: {  	s3 =	sld [smem:$0x3FFE];
	_ =	sdelay $0x1  }
0x8a: {  	s1 =	srdreg.scid  }
0x8b: {  	s0 =	sand.u32 $0x1, s1  }
0x8c: {  	s17 =	sshll.u32 s0, $0xA;
	s2 =	sadd.s32 s3, s2  }
0x8d: {  	s2 =	sadd.s32 s2, s17  }
0x8e: {  	[smem:$0x3FC6] =	sst s2  }
0x8f: {  	_ = 	snop  }
0x90: {  	s2 =	sld [smem:$0x3FC9]  }
0x91: {  	s18 =	sld [smem:$0x3FC8];
	(tm) =	ssettm $0x1  }
0x92: {  	s4 =	sld [smem:$0x3FFB];
	_ =	sdelay $0x3  }
0x93: {  	_ =	strace s4  }
0x94: {  	s4 =	sld [smem:$0x3FFC];
	_ =	sdelay $0x3  }
0x95: {  	_ =	strace s4  }
0x96: {  	s4 =	sld [smem:$0x3FFD];
	_ =	sdelay $0x3  }
0x97: {  	_ =	strace s4  }
0x98: {  	_ =	strace $0x8FFFFFFF  }
0x99: {  	s19 =	sld [smem:$0x3FDB];
	_ =	sdelay $0x1  }
0x9a: {  	s5 =	simm.s32 $_scs_section_size  }
0x9b: {  	s6 =	simm.s32 $_size__tile_overlayer_lowered;
	s7 =	simm.s32 $_tile_overlayer_lowered  }
0x9c: {  	s22 =	simm.s32 $0x1BFF;
	s21 =	sshll.u32 s7, $0x1;
	s4 =	sadd.s32 s5, s19  }
0x9d: {  	s8 =	simm.s32 $0x0;
	s20 =	sshll.u32 s6, $0x1;
	s6 =	sadd.s32 s21, s4  }
0x9e: {  	[timem:s8], [sflag:s22] =	dma.local [hbm:s6], s20  }
0x9f: {  	_ =	swait.ge [sflag:s22], s20  }
0xa0: {  	s5 =	ssub.s32 $0x0, s20;
	[sflag:s22] =	ssyncset.done $0x0  }
0xa1: {  	[sflag:s22] =	ssyncadd.s32 s5;
	_ =	sdelay $0x1  }
0xa2: {  	s23 =	simm.s32 $0x1B8B  }
0xa3: {  	_ =	swait.ge [sflag:s23], $0x1  }
0xa4: {  	[sflag:s23] =	ssyncset.done $0x0  }
0xa5: {  	s25 =	simm.s32 $0x1B8E;
	s24 =	sld [smem:$0x3FFE];
	[sflag:s23] =	ssyncadd.s32 $0xFFFFFFFF  }
0xa6: {  	s26 =	simm.s32 $execute0_lowered;
	[smem:$0x3FD2] =	sst s25  }
0xa7: {  	s6 =	sshll.u32 s26, $0x1;
	_ =	strace $0x80000046;
	[dreg:$0x1] =	wrdreg $0xFFFFFFFF  }
0xa8: {  	s28 =	simm.s32 $_size_execute0_lowered;
	s4 =	sadd.s32 s4, s6;
	[dreg:$0x0] =	wrdreg $0x0  }
0xa9: {  	s6 =	sshll.u32 s28, $0x1;
	[dreg:$0x2] =	wrdreg s4  }
0xaa: {  	[dreg:$0x3] =	wrdreg s6  }
0xab: {  	[dreg:$0x4] =	wrdreg $0xC0  }
0xac: {  	_ =	task [dreg:s8], $0x5FFFF  }
0xad: {  	[dreg:$0x1] =	wrdreg $0xFFFFFFFF  }
0xae: {  	[dreg:$0x0] =	wrdreg $0x60  }
0xaf: {  	[dreg:$0x2] =	wrdreg s18  }
0xb0: {  	[dreg:$0x3] =	wrdreg s2  }
0xb1: {  	[dreg:$0x4] =	wrdreg s24  }
0xb2: {  	[dreg:$0x5] =	wrdreg $0x9  }
0xb3: {  	_ =	task.clear_ibuf [dreg:s8], $0x6FFFF;
	_ =	strace $0x90000046  }
0xb4: {  	s29 =	simm.s32 $0x9;
	_ =	strace $0x80000048  }
0xb5: {  	_ =	swait.ge [sflag:s29], $0x1  }
0xb6: {  	[sflag:s29] =	ssyncadd.s32 $0xFFFFFFFF  }
0xb7: {  	_ =	strace $0x90000048  }
0xb8: {  	_ =	sfence  }
0xb9: {  	s30 =	sld [smem:$0x0];
	_ =	sdelay $0x2  }
0xba: {  	s31 =	sshll.u32 s1, $0xD;
	s1 =	sshrl.u32 s1, $0x2  }
0xbb: {  	s3 =	sand.u32 $0x4000, s31;
	s1 =	sadd.s32 s1, s30  }
0xbc: {  	s0 =	sor.u32 s3, s0;
	s1 =	sshll.u32 s1, $0x11  }
0xbd: {  	s0 =	sor.u32 s1, s0  }
0xbe: {  	s0 =	sadd.s32 $0x8F2B, s0  }
0xbf: {  	[sflag:s0] =	ssyncadd.remote.s32 $0x1  }
0xc0: {  	_ =	sfence.sel $0xFFFF  }
0xc1: {  	[dreg:$0x0] =	wrdreg $0xFFFFFFFF;
	(pc) =	sbr.abs _section_cstart, $3  }
0xc2: {  	[dreg:$0x1] =	wrdreg $0xFFFFFFFF  }
0xc3: {  	_ =	task.clear_ibuf [dreg:s8], $0x2FFFF;
	_ =	strace $0x9FFFFFFF  }
0xc4: {  	(tm) =	ssettm $0x7FFFFFFF  }
0xc5: {  	_ =	shalt  }
tec
execute0_lowered:
.L_overlay_start_1:
0x0: {  	(tag) =	ssettag $0x1  }
0x1: {  	v0 =	vimm.s32 $0x1380  }
0x2: {  	vm12 =	vcmask $0x300;
	vm13 =	vcmask $0x704;
	vm14 =	vcmask $0xB08  }
0x3: {  	vm15 =	vcmask $0xF0C;
	vm11 =	vcmask $0x1310;
	vm9 =	vcmask $0x1714  }
0x4: {  	vm10 =	vcmask $0x1B18;
	vm8 =	vcmask $0x1F1C;
	vm7 =	vcmask $0x2320  }
0x5: {  	vm6 =	vcmask $0x2724;
	vm5 =	vcmask $0x2B28;
	vm4 =	vcmask $0x2F2C  }
0x6: {  	vm3 =	vcmask $0x3330;
	vm2 =	vcmask $0x3734;
	vm1 =	vcmask $0x3B38  }
0x7: {  	v9 =	vimm.s32 $0x3380;
	v10 =	vimm.s32 $0x5380;
	v11 =	vimm.s32 $0x7380  }
0x8: {  	v0 =	vsel vm12, $0x0, v0;
	v9 =	vsel vm12, $0x2000, v9;
	v10 =	vsel vm12, $0x4000, v10  }
0x9: {  	s1 =	srdreg.scid;
	s0 =	stileid.u32;
	v11 =	vsel vm12, $0x6000, v11;
	v0 =	vsel vm13, $0x80, v0;
	v9 =	vsel vm13, $0x2080, v9  }
0xa: {  	s7 =	sand.u32 $0x1, s1;
	s30 =	sshll.u32 s0, $0x1;
	v10 =	vsel vm13, $0x4080, v10;
	v11 =	vsel vm13, $0x6080, v11;
	v0 =	vsel vm14, $0x100, v0  }
0xb: {  	s3 =	sor.u32 s7, s30;
	v9 =	vsel vm14, $0x2100, v9;
	v10 =	vsel vm14, $0x4100, v10;
	v11 =	vsel vm14, $0x6100, v11  }
0xc: {  	s1 =	smul.u32 $0x7A1, s3;
	v0 =	vsel vm15, $0x180, v0;
	v9 =	vsel vm15, $0x2180, v9;
	v10 =	vsel vm15, $0x4180, v10  }
0xd: {  	v11 =	vsel vm15, $0x6180, v11;
	v0 =	vsel vm11, $0x200, v0;
	v9 =	vsel vm11, $0x2200, v9  }
0xe: {  	s2 =	sadd.s32 $0x7A1, s1;
	s1 =	sshrl.u32 s1, $0x5;
	v10 =	vsel vm11, $0x4200, v10;
	v11 =	vsel vm11, $0x6200, v11;
	v0 =	vsel vm9, $0x280, v0  }
0xf: {  	s9 =	sshll.u32 s1, $0x9;
	v9 =	vsel vm9, $0x2280, v9;
	v10 =	vsel vm9, $0x4280, v10;
	v11 =	vsel vm9, $0x6280, v11  }
0x10: {  	s2 =	sshrl.u32 s2, $0x5;
	v1 =	vsel vm10, $0x300, v0;
	v0 =	vmov s9;
	v9 =	vsel vm10, $0x2300, v9  }
0x11: {  	s2 =	ssub.s32 s2, s1;
	v10 =	vsel vm10, $0x4300, v10;
	v11 =	vsel vm10, $0x6300, v11;
	v2 =	vsel vm8, $0x380, v1  }
0x12: {  	s4 =	sshll.u32 s2, $0x9;
	v9 =	vsel vm8, $0x2380, v9;
	v10 =	vsel vm8, $0x4380, v10;
	v11 =	vsel vm8, $0x6380, v11  }
0x13: {  	v1 =	vmov s4;
	v3 =	vsel vm7, $0x1000, v2;
	v2 =	vmov s3  }
0x14: {  	v9 =	vsel vm7, $0x3000, v9;
	v10 =	vsel vm7, $0x5000, v10;
	v11 =	vsel vm7, $0x7000, v11  }
0x15: {  	s8 =	rddreg [dreg:$0x2];
	v4 =	vsel vm6, $0x1080, v3;
	v3 =	vlaneseq.u32;
	v9 =	vsel vm6, $0x3080, v9  }
0x16: {  	s5 =	rddreg [dreg:$0x3];
	v10 =	vsel vm6, $0x5080, v10;
	v11 =	vsel vm6, $0x7080, v11;
	v5 =	vsel vm5, $0x1100, v4  }
0x17: {  	s6 =	simm.s32 $0x0;
	s12 =	simm.s32 $0x4;
	s13 =	simm.s32 $0x400;
	v4 =	vmul.u32 $0x80, v3;
	vm0 =	veq.s32 v2, v3;
	v9 =	vsel vm5, $0x3100, v9  }
0x18: {  	s14 =	simm.s32 $0x7A1400;
	s15 =	simm.s32 $0x1C380;
	s16 =	simm.s32 $0x3;
	v10 =	vsel vm5, $0x5100, v10;
	v11 =	vsel vm5, $0x7100, v11;
	v5 =	vsel vm4, $0x1180, v5  }
0x19: {  	s17 =	simm.s32 $0xC380;
	s18 =	simm.s32 $0x0;
	s10 =	ssub.s32 $0x2, s7;
	v9 =	vsel vm4, $0x3180, v9;
	v10 =	vsel vm4, $0x5180, v10;
	v11 =	vsel vm4, $0x7180, v11  }
.Ltmp0:
0x1a: {  	[smem:$0x7FF] =	sst s6;
	s31 =	sshrl.u32 s10, $0x1;
	v6 =	vsel vm3, $0x1200, v5;
	v5 =	vor.u32 $0x800, v4;
	v7 =	vor.u32 $0x1800, v4;
	(pc) =	sbr.rel .LBB2_1-.Ltmp0, $4  }
0x1b: {  	s7 =	sadd.s32 $0x400, s8;
	s11 =	ssub.s32 s10, s31;
	s3 =	rddreg [dreg:$0x0];
	v9 =	vsel vm3, $0x3200, v9;
	v10 =	vsel vm3, $0x5200, v10;
	v11 =	vsel vm3, $0x7200, v11  }
0x1c: {  	s11 =	smax.u32 s11, $0x1;
	p0 =	slt.s32 s2, $0x1;
	s4 =	rddreg [dreg:$0x1];
	v8 =	vsel vm2, $0x1280, v6;
	v6 =	vor.u32 $0x1000, v4;
	v9 =	vsel vm2, $0x3280, v9  }
0x1d: {  	_ =	strace $0x80000047;
	p1 =	seq.s32 @!p0 s2, $0x1;
	s9 =	sadd.s32 s3, s9;
	v10 =	vsel vm2, $0x5280, v10;
	v11 =	vsel vm2, $0x7280, v11;
	v8 =	vsel vm1, $0x1300, v8  }
0x1e: {  	s8 =	sadd.s32 $0xF4200, s3;
	p1 =	por p1, p0;
	s10 =	sadd.s32 $0x200, s9;
	v9 =	vsel vm1, $0x3300, v9;
	v10 =	vsel vm1, $0x5300, v10;
	v11 =	vsel vm1, $0x7300, v11  }
.LBB2_24:
0x1f: {  	[sflag:s16] =	ssyncadd.s32 $0xFFFFFF80  }
.LBB2_25:
0x20: {  	s18 =	sadd.s32 $0x1, s18  }
0x21: {  	p2 =	sne.s32 s18, s11  }
.Ltmp1:
0x22: {  	_ = 	snop;
	(pc) =	sbr.rel @!p2 .LBB2_26-.Ltmp1, $1  }
0x23: {  	_ =	sdelay $0x3  }
.LBB2_1:
0x24: {  	[tilespmem:s6], [sflag:$0x4] =	stream.linear.gather [hbm4b:s4+s6], $0x4000, $0x38;
	[tilespmem:$0x1F380] =	vst v63  }
0x25: {  	_ =	swait.ge [sflag:s12], $0x4000  }
0x26: {  	[sflag:s12] =	ssyncset.done $0x0  }
0x27: {  	s19 =	simm.s32 @!p0 $0x1000;
	[sflag:s12] =	ssyncadd.s32 $0xFFFFC000  }
0x28: {  	[tilespmem:s15], [sflag:$0x3] =	stream.strided.gather [hbm4b:s8+s13], $0x2000, s14, s13, $0x38;
	[tilespmem:$0x1F380] =	vst v63  }
0x29: {  	s20 =	simm.s32 @!p0 $0x7A1400;
	s21 =	simm.s32 @!p0 $0xC380;
	s31 =	simm.s32 $0x20  }
0x2a: {  	[tilespmem:s21], [sflag:$0x1] =	stream.strided.gather @!p0 [hbm4b:s9+s19], $0x8000, s20, s19, $0x38;
	[tilespmem:$0x1F380] =	vst v63  }
0x2b: {  	s19 =	simm.s32 @!p1 $0x1000;
	s20 =	simm.s32 @!p1 $0x7A1400;
	s21 =	simm.s32 @!p1 $0x14380  }
0x2c: {  	[tilespmem:s21], [sflag:$0x2] =	stream.strided.gather @!p1 [hbm4b:s10+s19], $0x8000, s20, s19, $0x38;
	[tilespmem:$0x1F380] =	vst v63  }
0x2d: {  	v12 =	vld [tilespmem:s31+$0xFFFFFFE0];
	_ =	sdelay $0x4  }
0x2e: {  	v13 =	vsub.s32 v12, v0  }
0x2f: {  	vm1 =	vgt.s32 v13, $0xFFFFFFFF;
	vm2 =	vlt.s32 v13, v1  }
0x30: {  	vm3 =	vgt.s32 v12, $0xF41FF;
	vm1 =	vmand vm1, vm2  }
0x31: {  	vm2 =	vmand vm0, vm3;
	v14 =	vmpcnt.ones.xlane vm1  }
0x32: {  	v15 =	vmpcnt.ones.xlane vm2  }
0x33: {  	(v2sf) =	vpush v14, $0x0  }
0x34: {  	(v2sf) =	vpush v15, $0x0;
	_ =	sdelay $0x2  }
0x35: {  	v12 =	vshll.u32 v12, $0xE;
	v13 =	vshll.u32 v13, $0xE;
	v14 =	vor.u32 s6, v3  }
0x36: {  	v13 =	vadd.s32 v14, v13;
	v12 =	vadd.s32 v14, v12  }
0x37: {  	v12 =	vadd.s32 $0x2F800000, v12;
	[tilespmem:s6+$0x4000] =	vst.msk vm1, v13  }
0x38: {  	[tilespmem:s6+$0xC100] =	vst.msk vm2, v12  }
0x39: {  	v12 =	vld [tilespmem:s31+$0xFFFFFFF0];
	_ =	sdelay $0x1  }
0x3a: {  	s24 =	simm.s32 $0x10  }
0x3b: {  	v13 =	vor.u32 s24, v3  }
0x3c: {  	v14 =	vand.u32 $0x1F, v13  }
0x3d: {  	vm2 =	veq.s32 v14, v2;
	v15 =	vsub.s32 v12, v0;
	vm1 =	vgt.s32 v12, $0xF41FF  }
0x3e: {  	v12 =	vshll.u32 v12, $0xE;
	vm3 =	vgt.s32 v15, $0xFFFFFFFF;
	vm4 =	vlt.s32 v15, v1  }
0x3f: {  	vm1 =	vmand vm2, vm1;
	v15 =	vshll.u32 v15, $0xE;
	v12 =	vadd.s32 v13, v12;
	s25 =	spop (v2sf)  }
0x40: {  	vm2 =	vmand vm3, vm4;
	v14 =	vmpcnt.ones.xlane vm1;
	v13 =	vadd.s32 v13, v15;
	s20 =	sadd.s32 $0x0, s25;
	s26 =	spop (v2sf)  }
0x41: {  	v12 =	vadd.s32 $0x2F800000, v12;
	v16 =	vmpcnt.ones.xlane vm2;
	s21 =	sadd.s32 $0x0, s26;
	[tilespmem:s20+$0x4000] =	vst.msk vm2, v13  }
0x42: {  	(v2sf) =	vpush v14, $0x0;
	[tilespmem:s21+$0xC100] =	vst.msk vm1, v12  }
0x43: {  	(v2sf) =	vpush v16, $0x0;
	v12 =	vld [tilespmem:s31+$0x0];
	_ =	sdelay $0x4  }
0x44: {  	v13 =	vsub.s32 v12, v0  }
0x45: {  	vm1 =	vgt.s32 v13, $0xFFFFFFFF;
	vm2 =	vlt.s32 v13, v1  }
0x46: {  	vm3 =	vgt.s32 v12, $0xF41FF;
	vm1 =	vmand vm1, vm2  }
0x47: {  	vm2 =	vmand vm0, vm3;
	v14 =	vmpcnt.ones.xlane vm1  }
0x48: {  	v15 =	vmpcnt.ones.xlane vm2  }
0x49: {  	(v2sf) =	vpush v14, $0x0  }
0x4a: {  	(v2sf) =	vpush v15, $0x0;
	_ =	sdelay $0x2  }
0x4b: {  	s22 =	simm.s32 $0x20;
	s23 =	spop (v2sf)  }
0x4c: {  	v12 =	vshll.u32 v12, $0xE;
	v13 =	vshll.u32 v13, $0xE;
	v14 =	vor.u32 s22, v3;
	s28 =	spop (v2sf)  }
0x4d: {  	v12 =	vadd.s32 v14, v12;
	v13 =	vadd.s32 v14, v13;
	s20 =	sadd.s32 s20, s28  }
0x4e: {  	s21 =	sadd.s32 s21, s23;
	v12 =	vadd.s32 $0x2F800000, v12;
	[tilespmem:s20+$0x4000] =	vst.msk vm1, v13  }
0x4f: {  	[tilespmem:s21+$0xC100] =	vst.msk vm2, v12  }
0x50: {  	v12 =	vld [tilespmem:s31+$0x10]  }
0x51: {  	s29 =	simm.s32 $0x30  }
0x52: {  	v13 =	vor.u32 s29, v3  }
0x53: {  	v14 =	vand.u32 $0x1F, v13  }
0x54: {  	vm4 =	veq.s32 v14, v2  }
0x55: {  	v15 =	vsub.s32 v12, v0;
	vm1 =	vgt.s32 v12, $0xF41FF;
	v12 =	vshll.u32 v12, $0xE  }
0x56: {  	vm2 =	vgt.s32 v15, $0xFFFFFFFF;
	vm3 =	vlt.s32 v15, v1;
	v14 =	vshll.u32 v15, $0xE;
	s30 =	spop (v2sf)  }
0x57: {  	v12 =	vadd.s32 v13, v12;
	vm2 =	vmand vm2, vm3;
	v13 =	vadd.s32 v13, v14;
	s23 =	sadd.s32 s20, s30;
	s31 =	spop (v2sf)  }
0x58: {  	vm1 =	vmand vm4, vm1;
	v12 =	vadd.s32 $0x2F800000, v12;
	s22 =	sadd.s32 s21, s31;
	[tilespmem:s23+$0x4000] =	vst.msk vm2, v13  }
0x59: {  	[tilespmem:s22+$0xC100] =	vst.msk vm1, v12;
	v12 =	vmpcnt.ones.xlane vm2  }
0x5a: {  	v14 =	vmpcnt.ones.xlane vm1  }
0x5b: {  	(v2sf) =	vpush v12, $0x0  }
0x5c: {  	(v2sf) =	vpush v14, $0x0;
	_ =	sdelay $0x3  }
0x5d: {  	s19 =	simm.s32 $0x60  }
0x5e: {  	v13 =	vld [tilespmem:s19+$0xFFFFFFE0];
	_ =	sdelay $0x2  }
0x5f: {  	s20 =	simm.s32 $0x40  }
0x60: {  	v12 =	vor.u32 s20, v3  }
0x61: {  	v14 =	vsub.s32 v13, v0;
	vm1 =	vgt.s32 v13, $0xF41FF;
	v13 =	vshll.u32 v13, $0xE  }
0x62: {  	s21 =	simm.s32 $0x4;
	vm2 =	vgt.s32 v14, $0xFFFFFFFF;
	vm3 =	vlt.s32 v14, v1;
	v14 =	vshll.u32 v14, $0xE  }
.LBB2_2:
0x63: {  	s21 =	sadd.s32 $0x4, s21;
	vm2 =	vmand vm2, vm3;
	v14 =	vadd.s32 v12, v14;
	v12 =	vadd.s32 v12, v13  }
0x64: {  	vm1 =	vmand vm0, vm1;
	p2 =	slt.u32 s21, $0x3FC;
	v13 =	vmpcnt.ones.xlane vm2;
	v12 =	vadd.s32 $0x2F800000, v12  }
0x65: {  	v15 =	vmpcnt.ones.xlane vm1;
	s24 =	spop (v2sf)  }
0x66: {  	(v2sf) =	vpush v13, $0x0;
	s23 =	sadd.s32 s23, s24;
	s24 =	spop (v2sf)  }
0x67: {  	[tilespmem:s23+$0x4000] =	vst.msk vm2, v14;
	(v2sf) =	vpush v15, $0x0;
	s22 =	sadd.s32 s22, s24  }
0x68: {  	[tilespmem:s22+$0xC100] =	vst.msk vm1, v12  }
0x69: {  	v12 =	vld [tilespmem:s19+$0xFFFFFFF0]  }
0x6a: {  	s24 =	sadd.s32 $0x10, s20;
	_ =	sdelay $0x1  }
0x6b: {  	v13 =	vor.u32 s24, v3  }
0x6c: {  	v14 =	vand.u32 $0x1F, v13  }
0x6d: {  	vm2 =	veq.s32 v14, v2;
	v15 =	vsub.s32 v12, v0;
	vm1 =	vgt.s32 v12, $0xF41FF  }
0x6e: {  	vm3 =	vgt.s32 v15, $0xFFFFFFFF;
	vm4 =	vlt.s32 v15, v1;
	vm1 =	vmand vm2, vm1  }
0x6f: {  	v12 =	vshll.u32 v12, $0xE;
	vm2 =	vmand vm3, vm4;
	v14 =	vmpcnt.ones.xlane vm1  }
0x70: {  	v15 =	vshll.u32 v15, $0xE;
	v12 =	vadd.s32 v13, v12;
	v16 =	vmpcnt.ones.xlane vm2  }
0x71: {  	v13 =	vadd.s32 v13, v15;
	(v2sf) =	vpush v14, $0x0  }
0x72: {  	(v2sf) =	vpush v16, $0x0;
	_ =	sdelay $0x1  }
0x73: {  	s24 =	spop (v2sf)  }
0x74: {  	s23 =	sadd.s32 s23, s24;
	s24 =	spop (v2sf)  }
0x75: {  	v12 =	vadd.s32 $0x2F800000, v12;
	s22 =	sadd.s32 s22, s24;
	[tilespmem:s23+$0x4000] =	vst.msk vm2, v13  }
0x76: {  	[tilespmem:s22+$0xC100] =	vst.msk vm1, v12  }
0x77: {  	v12 =	vld [tilespmem:s19+$0x0];
	_ =	sdelay $0x4  }
0x78: {  	s24 =	sadd.s32 $0x20, s20;
	v13 =	vsub.s32 v12, v0;
	vm1 =	vgt.s32 v12, $0xF41FF  }
0x79: {  	vm2 =	vgt.s32 v13, $0xFFFFFFFF;
	vm3 =	vlt.s32 v13, v1;
	vm1 =	vmand vm0, vm1  }
0x7a: {  	v14 =	vor.u32 s24, v3;
	v12 =	vshll.u32 v12, $0xE;
	vm2 =	vmand vm2, vm3  }
0x7b: {  	v13 =	vshll.u32 v13, $0xE;
	v12 =	vadd.s32 v14, v12;
	v15 =	vmpcnt.ones.xlane vm2;
	s24 =	spop (v2sf)  }
0x7c: {  	v13 =	vadd.s32 v14, v13;
	v14 =	vmpcnt.ones.xlane vm1;
	s22 =	sadd.s32 s22, s24;
	s24 =	spop (v2sf)  }
0x7d: {  	v12 =	vadd.s32 $0x2F800000, v12;
	s23 =	sadd.s32 s23, s24;
	(v2sf) =	vpush v15, $0x0  }
0x7e: {  	[tilespmem:s23+$0x4000] =	vst.msk vm2, v13;
	(v2sf) =	vpush v14, $0x0  }
0x7f: {  	[tilespmem:s22+$0xC100] =	vst.msk vm1, v12  }
0x80: {  	v12 =	vld [tilespmem:s19+$0x10];
	_ =	sdelay $0x1  }
0x81: {  	s24 =	sadd.s32 $0x30, s20  }
0x82: {  	v13 =	vor.u32 s24, v3  }
0x83: {  	v14 =	vand.u32 $0x1F, v13  }
0x84: {  	v15 =	vsub.s32 v12, v0;
	vm1 =	vgt.s32 v12, $0xF41FF;
	v12 =	vshll.u32 v12, $0xE  }
0x85: {  	vm4 =	veq.s32 v14, v2;
	vm2 =	vgt.s32 v15, $0xFFFFFFFF;
	vm3 =	vlt.s32 v15, v1  }
0x86: {  	v14 =	vshll.u32 v15, $0xE;
	vm1 =	vmand vm4, vm1;
	vm2 =	vmand vm2, vm3  }
0x87: {  	v12 =	vadd.s32 v13, v12;
	v16 =	vmpcnt.ones.xlane vm1;
	v15 =	vmpcnt.ones.xlane vm2  }
0x88: {  	v13 =	vadd.s32 v13, v14  }
0x89: {  	(v2sf) =	vpush v15, $0x0  }
0x8a: {  	(v2sf) =	vpush v16, $0x0  }
0x8b: {  	s24 =	spop (v2sf)  }
0x8c: {  	s23 =	sadd.s32 s23, s24;
	s24 =	spop (v2sf)  }
0x8d: {  	v12 =	vadd.s32 $0x2F800000, v12;
	s22 =	sadd.s32 s22, s24;
	[tilespmem:s23+$0x4000] =	vst.msk vm2, v13  }
0x8e: {  	s19 =	sadd.s32 $0x40, s19;
	[tilespmem:s22+$0xC100] =	vst.msk vm1, v12  }
0x8f: {  	v13 =	vld [tilespmem:s19+$0xFFFFFFE0];
	_ =	sdelay $0x1  }
.Ltmp2:
0x90: {  	(pc) =	sbr.rel @p2 .LBB2_2-.Ltmp2, $4  }
0x91: {  	s20 =	sadd.s32 $0x40, s20  }
0x92: {  	v12 =	vor.u32 s20, v3  }
0x93: {  	v14 =	vsub.s32 v13, v0;
	vm1 =	vgt.s32 v13, $0xF41FF;
	v13 =	vshll.u32 v13, $0xE  }
0x94: {  	vm2 =	vgt.s32 v14, $0xFFFFFFFF;
	vm3 =	vlt.s32 v14, v1;
	v14 =	vshll.u32 v14, $0xE  }
0x95: {  	_ =	sdelay $0x1  }
0x96: {  	s21 =	spop (v2sf)  }
0x97: {  	vm2 =	vmand vm2, vm3;
	v14 =	vadd.s32 v12, v14;
	v47 =	vadd.s32 v12, v13;
	s21 =	sadd.s32 s23, s21;
	s26 =	spop (v2sf)  }
0x98: {  	vm1 =	vmand vm0, vm1;
	v48 =	vmpcnt.ones.xlane vm2;
	v12 =	vadd.s32 $0x2F800000, v47;
	[tilespmem:s21+$0x4000] =	vst.msk vm2, v14;
	s22 =	sadd.s32 s22, s26  }
0x99: {  	v15 =	vmpcnt.ones.xlane vm1;
	[tilespmem:s22+$0xC100] =	vst.msk vm1, v12  }
0x9a: {  	(v2sf) =	vpush v48, $0x0;
	v12 =	vld [tilespmem:s19+$0xFFFFFFF0]  }
0x9b: {  	(v2sf) =	vpush v15, $0x0  }
0x9c: {  	s28 =	sadd.s32 $0x10, s20  }
0x9d: {  	v49 =	vor.u32 s28, v3  }
0x9e: {  	v50 =	vand.u32 $0x1F, v49  }
0x9f: {  	vm2 =	veq.s32 v50, v2;
	v51 =	vsub.s32 v12, v0;
	vm1 =	vgt.s32 v12, $0xF41FF  }
0xa0: {  	vm3 =	vgt.s32 v51, $0xFFFFFFFF;
	vm4 =	vlt.s32 v51, v1;
	vm1 =	vmand vm2, vm1  }
0xa1: {  	vm2 =	vmand vm3, vm4;
	v52 =	vmpcnt.ones.xlane vm1  }
0xa2: {  	v16 =	vmpcnt.ones.xlane vm2  }
0xa3: {  	(v2sf) =	vpush v52, $0x0  }
0xa4: {  	(v2sf) =	vpush v16, $0x0;
	_ =	sdelay $0x4  }
0xa5: {  	v12 =	vshll.u32 v12, $0xE;
	v53 =	vshll.u32 v51, $0xE;
	s29 =	spop (v2sf)  }
0xa6: {  	v12 =	vadd.s32 v49, v12;
	v13 =	vadd.s32 v49, v53;
	s21 =	sadd.s32 s21, s29;
	s30 =	spop (v2sf)  }
0xa7: {  	v12 =	vadd.s32 $0x2F800000, v12;
	s22 =	sadd.s32 s22, s30;
	[tilespmem:s21+$0x4000] =	vst.msk vm2, v13  }
0xa8: {  	[tilespmem:s22+$0xC100] =	vst.msk vm1, v12  }
0xa9: {  	v12 =	vld [tilespmem:s19+$0x0];
	_ =	sdelay $0x2  }
0xaa: {  	s31 =	sadd.s32 $0x20, s20  }
0xab: {  	v55 =	vor.u32 s31, v3  }
0xac: {  	v54 =	vsub.s32 v12, v0;
	vm1 =	vgt.s32 v12, $0xF41FF;
	v12 =	vshll.u32 v12, $0xE;
	s24 =	spop (v2sf)  }
0xad: {  	vm2 =	vgt.s32 v54, $0xFFFFFFFF;
	vm3 =	vlt.s32 v54, v1;
	v13 =	vshll.u32 v54, $0xE;
	s25 =	spop (v2sf)  }
0xae: {  	v12 =	vadd.s32 v55, v12;
	vm2 =	vmand vm2, vm3;
	v13 =	vadd.s32 v55, v13;
	s21 =	sadd.s32 s21, s25  }
0xaf: {  	vm1 =	vmand vm0, vm1;
	v12 =	vadd.s32 $0x2F800000, v12;
	s22 =	sadd.s32 s22, s24;
	[tilespmem:s21+$0x4000] =	vst.msk vm2, v13  }
0xb0: {  	[tilespmem:s22+$0xC100] =	vst.msk vm1, v12  }
0xb1: {  	v12 =	vld [tilespmem:s19+$0x10];
	_ =	sdelay $0x1  }
0xb2: {  	s26 =	sadd.s32 $0x30, s20  }
0xb3: {  	v56 =	vor.u32 s26, v3  }
0xb4: {  	v58 =	vand.u32 $0x1F, v56  }
0xb5: {  	vm15 =	veq.s32 v58, v2;
	v59 =	vsub.s32 v12, v0  }
0xb6: {  	v57 =	vmpcnt.ones.xlane vm2;
	vm2 =	vgt.s32 v59, $0xFFFFFFFF;
	vm3 =	vlt.s32 v59, v1  }
0xb7: {  	v60 =	vmpcnt.ones.xlane vm1;
	vm1 =	vmand vm2, vm3;
	vm2 =	vgt.s32 v12, $0xF41FF  }
0xb8: {  	(v2sf) =	vpush v57, $0x0;
	vm2 =	vmand vm15, vm2;
	v61 =	vmpcnt.ones.xlane vm1  }
0xb9: {  	(v2sf) =	vpush v60, $0x0;
	v62 =	vmpcnt.ones.xlane vm2  }
0xba: {  	(v2sf) =	vpush v61, $0x0  }
0xbb: {  	(v2sf) =	vpush v62, $0x0;
	_ =	sdelay $0xb  }
0xbc: {  	s28 =	spop (v2sf)  }
0xbd: {  	v63 =	vshll.u32 v59, $0xE;
	v12 =	vshll.u32 v12, $0xE;
	s29 =	spop (v2sf)  }
0xbe: {  	v13 =	vadd.s32 v56, v63;
	v12 =	vadd.s32 v56, v12;
	s19 =	sadd.s32 s21, s28;
	s30 =	spop (v2sf)  }
0xbf: {  	v12 =	vadd.s32 $0x2F800000, v12;
	s20 =	sadd.s32 s22, s29;
	[tilespmem:s19+$0x4000] =	vst.msk vm1, v13;
	s31 =	spop (v2sf)  }
0xc0: {  	[tilespmem:s20+$0xC100] =	vst.msk vm2, v12;
	s20 =	sadd.s32 s20, s31  }
0xc1: {  	p2 =	sgt.s32 s20, $0x0  }
.Ltmp3:
0xc2: {  	_ = 	snop;
	(pc) =	sbr.rel @!p2 .LBB2_4-.Ltmp3, $4  }
0xc3: {  	_ = 	snop  }
0xc4: {  	_ =	swait.ge [sflag:s16], $0x2000  }
0xc5: {  	s22 =	simm.s32 $0xC100;
	[sflag:s16] =	ssyncset.done $0x0  }
0xc6: {  	s21 =	sadd.s32 s19, s30;
	s19 =	simm.s32 $0x0;
	[sflag:s16] =	ssyncadd.s32 $0xFFFFE000  }
0xc7: {  	v12 =	vld [tilespmem:s22+$0x0];
	_ =	sdelay $0x4  }
0xc8: {  	(v2sf) =	vpush v12, $0x0;
	_ =	sdelay $0xe  }
0xc9: {  	s30 =	spop (v2sf)  }
0xca: {  	s19 =	sshrl.u32 s30, $0xE  }
0xcb: {  	v62 =	vmov s19  }
0xcc: {  	v12 =	vand.u32 $0x7FFF, v62  }
0xcd: {  	p2 =	por $0x1, $0x1;
	v13 =	vadd.s32 v4, v12  }
0xce: {  	s19 =	simm.s32 @!p2 $0x3  }
0xcf: {  	_ =	swait.ge @!p2 [sflag:s19], $0x80  }
0xd0: {  	[sflag:s19] =	ssyncset.done @!p2 $0x0  }
0xd1: {  	[sflag:s19] =	ssyncadd.s32 @!p2 $0xFFFFFF80  }
0xd2: {  	v13 =	vld.idx.msk [tilespmem:v13+s15+$0x0], $0xffff  }
0xd3: {  	v14 =	vadd.s32 v5, v12;
	_ =	sdelay $0x1  }
0xd4: {  	s31 =	simm.s32 $0x0  }
0xd5: {  	s23 =	sand.u32 $0xF80, s31  }
0xd6: {  	[tilespmem:s23+$0x1E380] =	vst v13  }
0xd7: {  	v13 =	vld.idx.msk [tilespmem:v14+s15+$0x0], $0xffff  }
0xd8: {  	v63 =	vadd.s32 v6, v12;
	_ =	sdelay $0x3  }
0xd9: {  	[tilespmem:s23+$0x1E390] =	vst v13  }
0xda: {  	v13 =	vld.idx.msk [tilespmem:v63+s15+$0x0], $0xffff  }
0xdb: {  	v12 =	vadd.s32 v7, v12;
	_ =	sdelay $0x3  }
0xdc: {  	[tilespmem:s23+$0x1E3A0] =	vst v13  }
0xdd: {  	p2 =	sgt.s32 s20, $0x1;
	v12 =	vld.idx.msk [tilespmem:v12+s15+$0x0], $0xffff  }
.Ltmp4:
0xde: {  	_ = 	snop;
	(pc) =	sbr.rel @!p2 .LBB2_11-.Ltmp4, $4  }
0xdf: {  	_ = 	snop  }
0xe0: {  	s22 =	sshll.u32 s30, $0x4  }
0xe1: {  	s24 =	sadd.s32 $0x1E380, s23;
	s25 =	sand.u32 $0x3FFF0, s22;
	s22 =	simm.s32 $0xC101  }
0xe2: {  	s25 =	sadd.s32 s7, s25;
	s19 =	simm.s32 $0x1;
	[tilespmem:s23+$0x1E3B0] =	vst v12;
	s23 =	simm.s32 $0x200  }
.LBB2_10:
0xe3: {  	[hbm4b:s25+s6] =	stream.linear.scatter [tilespmem:s24], [sflag:$0x3], $0x80, $0x38;
	[tilespmem:$0x1F380] =	vst v63  }
0xe4: {  	s24 =	smov.u32 s19;
	s19 =	sadd.s32 $0x1, s19;
	v12 =	vld [tilespmem:s22+$0x0]  }
0xe5: {  	p2 =	slt.s32 s19, s20;
	_ =	sdelay $0x3  }
0xe6: {  	(v2sf) =	vpush v12, $0x0;
	_ =	sdelay $0xe  }
0xe7: {  	s25 =	spop (v2sf)  }
0xe8: {  	s26 =	sshrl.u32 s25, $0xE;
	s25 =	sshll.u32 s25, $0x4  }
0xe9: {  	v12 =	vmov s26;
	s25 =	sand.u32 $0x3FFF0, s25  }
0xea: {  	v12 =	vand.u32 $0x7FFF, v12  }
0xeb: {  	p3 =	slt.u32 s24, $0x20;
	v13 =	vadd.s32 v4, v12  }
0xec: {  	s24 =	simm.s32 @!p3 $0x3  }
0xed: {  	_ =	swait.ge @!p3 [sflag:s24], $0x80  }
0xee: {  	[sflag:s24] =	ssyncset.done @!p3 $0x0  }
0xef: {  	[sflag:s24] =	ssyncadd.s32 @!p3 $0xFFFFFF80  }
0xf0: {  	v13 =	vld.idx.msk [tilespmem:v13+s15+$0x0], $0xffff;
	_ =	sdelay $0x1  }
0xf1: {  	v14 =	vadd.s32 v5, v12;
	_ =	sdelay $0x1  }
0xf2: {  	s24 =	sshrl.u32 s23, $0x2  }
0xf3: {  	s26 =	sand.u32 $0xF80, s24  }
0xf4: {  	[tilespmem:s26+$0x1E380] =	vst v13  }
0xf5: {  	v13 =	vld.idx.msk [tilespmem:v14+s15+$0x0], $0xffff;
	_ =	sdelay $0x1  }
0xf6: {  	v14 =	vadd.s32 v6, v12;
	_ =	sdelay $0x3  }
0xf7: {  	[tilespmem:s26+$0x1E390] =	vst v13  }
0xf8: {  	v13 =	vld.idx.msk [tilespmem:v14+s15+$0x0], $0xffff;
	_ =	sdelay $0x1  }
0xf9: {  	v12 =	vadd.s32 v7, v12;
	_ =	sdelay $0x3  }
0xfa: {  	[tilespmem:s26+$0x1E3A0] =	vst v13  }
0xfb: {  	v12 =	vld.idx.msk [tilespmem:v12+s15+$0x0], $0xffff;
	_ =	sdelay $0x1  }
.Ltmp5:
0xfc: {  	(pc) =	sbr.rel @p2 .LBB2_10-.Ltmp5, $3  }
0xfd: {  	_ =	sdelay $0x1  }
0xfe: {  	s22 =	sadd.s32 $0x1, s22  }
0xff: {  	s25 =	sadd.s32 s7, s25;
	s23 =	sadd.s32 $0x200, s23;
	s24 =	sadd.s32 $0x1E380, s26;
	[tilespmem:s26+$0x1E3B0] =	vst v12  }
.LBB2_11:
0x100: {  	[hbm4b:s25+s6] =	stream.linear.scatter [tilespmem:s24], [sflag:$0x3], $0x80, $0x38;
	[tilespmem:$0x1F380] =	vst v63  }
.LBB2_4:
.Ltmp6:
0x101: {  	(pc) =	sbr.rel @p0 .LBB2_21-.Ltmp6, $1  }
0x102: {  	_ =	sdelay $0x3  }
0x103: {  	s20 =	sadd.s32 $0xF, s21  }
0x104: {  	s22 =	sand.u32 $0xF, s20  }
0x105: {  	s31 =	sshra.s32 s20, $0x1F;
	p3 =	slt.s32 s20, $0x1;
	p2 =	sne.s32 s22, $0x0  }
.Ltmp7:
0x106: {  	s22 =	sshrl.u32 s31, $0x1C;
	p2 =	por !p3, !p2;
	(pc) =	sbr.rel .LBB2_6-.Ltmp7, $4  }
0x107: {  	s20 =	sadd.s32 s22, s20;
	s22 =	simm.s32 $0x1;
	p2 =	por !p2, !p2  }
0x108: {  	s20 =	sshra.s32 s20, $0x4;
	s22 =	simm.s32 @!p2 $0x0  }
0x109: {  	s20 =	ssub.s32 s20, s22  }
0x10a: {  	v12 =	vmov s21;
	s21 =	simm.s32 $0x0;
	p2 =	slt.s32 s20, $0x1  }
.LBB2_19:
0x10b: {  	[hbm4b:s26+s6] =	stream.linear.scatter [tilespmem:s28], [sflag:$0x3], $0x80, $0x38;
	[tilespmem:$0x1F380] =	vst v63  }
.LBB2_20:
0x10c: {  	s24 =	sadd.s32 $0x2, s21  }
0x10d: {  	p3 =	sge.s32 s24, s2  }
0x10e: {  	s24 =	sadd.s32 @!p3 s1, s24  }
0x10f: {  	s23 =	sadd.s32 $0xC380, s23;
	s21 =	sadd.s32 $0x1, s21;
	s24 =	sshll.u32 @!p3 s24, $0x9  }
0x110: {  	s25 =	simm.s32 @!p3 $0x1000;
	s26 =	simm.s32 @!p3 $0x7A1400;
	s24 =	sadd.s32 @!p3 s3, s24  }
0x111: {  	[tilespmem:s23], [sflag:s22] =	stream.strided.gather @!p3 [hbm4b:s24+s25], $0x8000, s26, s25, $0x38;
	[tilespmem:$0x1F380] =	vst v63  }
0x112: {  	p3 =	slt.s32 s21, s2  }
.Ltmp8:
0x113: {  	_ = 	snop;
	(pc) =	sbr.rel @!p3 .LBB2_21-.Ltmp8, $1  }
0x114: {  	_ =	sdelay $0x3  }
.LBB2_6:
.Ltmp9:
0x115: {  	(pc) =	sbr.rel @p2 .LBB2_16-.Ltmp9, $2  }
0x116: {  	_ =	sdelay $0x2  }
0x117: {  	s24 =	simm.s32 $0x0  }
0x118: {  	p4 =	sne.s32 s20, $0x1  }
.Ltmp10:
0x119: {  	_ = 	snop;
	(pc) =	sbr.rel @!p4 .LBB2_8-.Ltmp10, $3  }
0x11a: {  	_ =	sdelay $0x1  }
0x11b: {  	s23 =	simm.s32 $0x4000  }
0x11c: {  	v13 =	vmov s21;
	s22 =	simm.s32 $0x0;
	p3 =	por $0x0, $0x0;
	v14 =	vld [tilespmem:s23+$0x0];
	s23 =	sadd.s32 $0xFFFFFFFF, s20  }
0x11d: {  	_ =	sdelay $0x3  }
0x11e: {  	v15 =	vor.u32 s22, v3;
	v16 =	vshrl.u32 v14, $0x17  }
0x11f: {  	vm1 =	vlt.s32 v15, v12;
	vm2 =	veq.s32 v16, v13  }
0x120: {  	vm1 =	vmand vm1, vm2  }
0x121: {  	v15 =	vmpcnt.ones.xlane vm1;
	_ =	sdelay $0x1  }
0x122: {  	(v2sf) =	vpush v15, $0x0  }
0x123: {  	p4 =	sne.s32 s23, $0x1  }
.Ltmp11:
0x124: {  	_ = 	snop;
	(pc) =	sbr.rel @!p4 .LBB2_13-.Ltmp11, $3  }
0x125: {  	_ =	sdelay $0x1  }
0x126: {  	s25 =	simm.s32 $0x4010;
	s26 =	sadd.s32 $0xFFFFFFFF, s23;
	[tilespmem:s22+$0x8080] =	vst.msk vm1, v14  }
0x127: {  	p3 =	por $0x1, $0x1;
	s24 =	simm.s32 $0x0;
	s23 =	simm.s32 $0x0;
	v14 =	vld [tilespmem:s25+$0x0]  }
.LBB2_14:
0x128: {  	p4 =	sne.s32 s26, $0x1;
	_ =	sdelay $0x2  }
0x129: {  	s24 =	sadd.s32 $0x10, s24  }
0x12a: {  	v15 =	vor.u32 s24, v3;
	v16 =	vshrl.u32 v14, $0x17  }
0x12b: {  	vm1 =	vlt.s32 v15, v12;
	vm2 =	veq.s32 v16, v13  }
0x12c: {  	vm1 =	vmand vm1, vm2  }
0x12d: {  	v15 =	vmpcnt.ones.xlane vm1  }
0x12e: {  	s28 =	spop (v2sf)  }
0x12f: {  	(v2sf) =	vpush v15, $0x0;
	s23 =	sadd.s32 s23, s28  }
0x130: {  	[tilespmem:s23+$0x8080] =	vst.msk vm1, v14  }
.Ltmp12:
0x131: {  	(pc) =	sbr.rel @p4 .LBB2_14-.Ltmp12, $3  }
0x132: {  	_ =	sdelay $0x1  }
0x133: {  	s25 =	sadd.s32 $0x10, s25  }
0x134: {  	s26 =	sadd.s32 $0xFFFFFFFF, s26;
	v14 =	vld [tilespmem:s25+$0x0]  }
.LBB2_15:
0x135: {  	_ =	sdelay $0x1  }
0x136: {  	s24 =	sadd.s32 @p3 $0x10, s24;
	s25 =	simm.s32 $0x0  }
0x137: {  	s25 =	smov.u32 @p3 s24  }
0x138: {  	v15 =	vor.u32 s25, v3;
	v16 =	vshrl.u32 v14, $0x17  }
0x139: {  	vm1 =	vlt.s32 v15, v12;
	vm2 =	veq.s32 v16, v13  }
0x13a: {  	vm1 =	vmand vm1, vm2  }
0x13b: {  	v13 =	vmpcnt.ones.xlane vm1;
	_ =	sdelay $0x1  }
0x13c: {  	(v2sf) =	vpush v13, $0x0;
	_ =	sdelay $0xc  }
0x13d: {  	s24 =	spop @p3 (v2sf)  }
0x13e: {  	s23 =	sadd.s32 @p3 s23, s24  }
0x13f: {  	s22 =	smov.u32 @p3 s23;
	s31 =	spop (v2sf)  }
0x140: {  	[tilespmem:s22+$0x8080] =	vst.msk vm1, v14;
	s24 =	sadd.s32 s22, s31  }
.LBB2_16:
0x141: {  	p3 =	slt.s32 s24, $0x1  }
.Ltmp13:
0x142: {  	s23 =	sand.u32 $0x1, s21;
	(pc) =	sbr.rel @p3 .LBB2_20-.Ltmp13, $4  }
0x143: {  	s22 =	sadd.s32 $0x1, s23  }
0x144: {  	_ =	swait.ge [sflag:s22], $0x8000  }
0x145: {  	[sflag:s22] =	ssyncset.done $0x0  }
0x146: {  	s23 =	sshll.u32 s23, $0xF;
	[sflag:s22] =	ssyncadd.s32 $0xFFFF8000  }
0x147: {  	s25 =	simm.s32 $0x8080  }
0x148: {  	v13 =	vld [tilespmem:s25+$0x0];
	_ =	sdelay $0x4  }
0x149: {  	(v2sf) =	vpush v13, $0x0;
	_ =	sdelay $0xe  }
0x14a: {  	s30 =	spop (v2sf)  }
0x14b: {  	s26 =	sshrl.u32 s30, $0xE  }
0x14c: {  	s26 =	sand.u32 $0x1FF, s26  }
0x14d: {  	v14 =	vmov s26  }
0x14e: {  	v13 =	vor.u32 s23, v8;
	v17 =	vand.u32 $0x7F, v14;
	v14 =	vshll.u32 v14, $0x3  }
0x14f: {  	v18 =	vand.u32 $0xC00, v14;
	v14 =	vor.u32 v13, v17  }
0x150: {  	p3 =	slt.s32 s19, $0x20;
	v15 =	vor.u32 v18, v14  }
0x151: {  	s26 =	simm.s32 @!p3 $0x3  }
0x152: {  	_ =	swait.ge @!p3 [sflag:s26], $0x80  }
0x153: {  	s28 =	sshra.s32 s19, $0x1F;
	[sflag:s26] =	ssyncset.done @!p3 $0x0  }
0x154: {  	s31 =	sshrl.u32 s28, $0x1B;
	v14 =	vor.u32 s23, v9;
	[sflag:s26] =	ssyncadd.s32 @!p3 $0xFFFFFF80  }
0x155: {  	s26 =	sadd.s32 s31, s19;
	v16 =	vor.u32 v14, v17;
	v19 =	vld.idx.msk [tilespmem:v15+s17+$0x0], $0xffff  }
0x156: {  	s26 =	sand.u32 $0xFFFFFFE0, s26;
	v16 =	vor.u32 v18, v16  }
0x157: {  	s26 =	ssub.s32 s19, s26  }
0x158: {  	s26 =	sshll.u32 s26, $0x9  }
0x159: {  	s26 =	sshra.s32 s26, $0x2  }
0x15a: {  	v15 =	vor.u32 s23, v10;
	[tilespmem:s26+$0x1E380] =	vst v19  }
0x15b: {  	v19 =	vor.u32 v15, v17;
	v20 =	vld.idx.msk [tilespmem:v16+s17+$0x0], $0xffff  }
0x15c: {  	v19 =	vor.u32 v18, v19;
	_ =	sdelay $0x3  }
0x15d: {  	v16 =	vor.u32 s23, v11;
	[tilespmem:s26+$0x1E390] =	vst v20  }
0x15e: {  	v17 =	vor.u32 v16, v17;
	v19 =	vld.idx.msk [tilespmem:v19+s17+$0x0], $0xffff  }
0x15f: {  	v17 =	vor.u32 v18, v17;
	_ =	sdelay $0x3  }
0x160: {  	s24 =	sadd.s32 $0xFFFFFFFF, s24;
	[tilespmem:s26+$0x1E3A0] =	vst v19  }
0x161: {  	p3 =	sne.s32 s24, $0x0;
	v17 =	vld.idx.msk [tilespmem:v17+s17+$0x0], $0xffff  }
.Ltmp14:
0x162: {  	_ = 	snop;
	(pc) =	sbr.rel @!p3 .LBB2_19-.Ltmp14, $4  }
0x163: {  	_ = 	snop  }
0x164: {  	s25 =	sshll.u32 s30, $0x4  }
0x165: {  	s29 =	sand.u32 $0x3FFF0, s25;
	s25 =	simm.s32 $0x8081  }
0x166: {  	s19 =	sadd.s32 $0x1, s19;
	s28 =	sadd.s32 $0x1E380, s26;
	[tilespmem:s26+$0x1E3B0] =	vst v17;
	s26 =	sadd.s32 s7, s29  }
.LBB2_18:
0x167: {  	[hbm4b:s26+s6] =	stream.linear.scatter [tilespmem:s28], [sflag:$0x3], $0x80, $0x38;
	[tilespmem:$0x1F380] =	vst v63  }
0x168: {  	s24 =	sadd.s32 $0xFFFFFFFF, s24;
	v17 =	vld [tilespmem:s25+$0x0]  }
0x169: {  	p3 =	sne.s32 s24, $0x0;
	_ =	sdelay $0x3  }
0x16a: {  	(v2sf) =	vpush v17, $0x0;
	_ =	sdelay $0xe  }
0x16b: {  	s26 =	spop (v2sf)  }
0x16c: {  	s28 =	sshrl.u32 s26, $0xE;
	s26 =	sshll.u32 s26, $0x4  }
0x16d: {  	s28 =	sand.u32 $0x1FF, s28;
	s26 =	sand.u32 $0x3FFF0, s26  }
0x16e: {  	v17 =	vmov s28  }
0x16f: {  	v18 =	vand.u32 $0x7F, v17;
	v17 =	vshll.u32 v17, $0x3  }
0x170: {  	v17 =	vand.u32 $0xC00, v17;
	v19 =	vor.u32 v13, v18;
	v20 =	vor.u32 v14, v18  }
0x171: {  	p4 =	slt.s32 s19, $0x20;
	v21 =	vor.u32 v15, v18;
	v19 =	vor.u32 v17, v19;
	v20 =	vor.u32 v17, v20  }
0x172: {  	s28 =	simm.s32 @!p4 $0x3;
	v18 =	vor.u32 v16, v18;
	v21 =	vor.u32 v17, v21  }
0x173: {  	v17 =	vor.u32 v17, v18;
	_ =	swait.ge @!p4 [sflag:s28], $0x80  }
0x174: {  	[sflag:s28] =	ssyncset.done @!p4 $0x0  }
0x175: {  	s29 =	sshra.s32 s19, $0x1F;
	[sflag:s28] =	ssyncadd.s32 @!p4 $0xFFFFFF80  }
0x176: {  	s28 =	sshrl.u32 s29, $0x1B;
	v18 =	vld.idx.msk [tilespmem:v19+s17+$0x0], $0xffff  }
0x177: {  	s28 =	sadd.s32 s28, s19  }
0x178: {  	s28 =	sand.u32 $0xFFFFFFE0, s28  }
0x179: {  	s28 =	ssub.s32 s19, s28  }
0x17a: {  	s28 =	sshll.u32 s28, $0x9  }
0x17b: {  	s29 =	sshra.s32 s28, $0x2  }
0x17c: {  	[tilespmem:s29+$0x1E380] =	vst v18  }
0x17d: {  	v18 =	vld.idx.msk [tilespmem:v20+s17+$0x0], $0xffff;
	_ =	sdelay $0x5  }
0x17e: {  	[tilespmem:s29+$0x1E390] =	vst v18  }
0x17f: {  	v18 =	vld.idx.msk [tilespmem:v21+s17+$0x0], $0xffff;
	_ =	sdelay $0x5  }
0x180: {  	[tilespmem:s29+$0x1E3A0] =	vst v18  }
0x181: {  	v17 =	vld.idx.msk [tilespmem:v17+s17+$0x0], $0xffff;
	_ =	sdelay $0x1  }
.Ltmp15:
0x182: {  	(pc) =	sbr.rel @p3 .LBB2_18-.Ltmp15, $3  }
0x183: {  	_ =	sdelay $0x1  }
0x184: {  	s25 =	sadd.s32 $0x1, s25  }
0x185: {  	s26 =	sadd.s32 s7, s26;
	s19 =	sadd.s32 $0x1, s19;
	s28 =	sadd.s32 $0x1E380, s29;
	[tilespmem:s29+$0x1E3B0] =	vst v17  }
.Ltmp16:
0x186: {  	_ = 	snop;
	(pc) =	sbr.rel .LBB2_19-.Ltmp16, $1  }
0x187: {  	_ =	sdelay $0x3  }
.LBB2_8:
.Ltmp17:
0x188: {  	(pc) =	sbr.rel .LBB2_15-.Ltmp17, $2  }
0x189: {  	_ =	sdelay $0x2  }
0x18a: {  	s24 =	simm.s32 $0x0;
	s23 =	simm.s32 $0x0  }
.LBB2_13:
.Ltmp18:
0x18b: {  	(pc) =	sbr.rel .LBB2_15-.Ltmp18, $2  }
0x18c: {  	_ =	sdelay $0x2  }
0x18d: {  	s24 =	simm.s32 $0x0;
	s23 =	simm.s32 $0x0  }
.LBB2_21:
0x18e: {  	p2 =	slt.s32 s19, $0x1  }
.Ltmp19:
0x18f: {  	_ = 	snop;
	(pc) =	sbr.rel @p2 .LBB2_25-.Ltmp19, $1  }
0x190: {  	_ =	sdelay $0x3  }
0x191: {  	p2 =	slt.s32 s19, $0x20  }
0x192: {  	s19 =	simm.s32 @!p2 $0x20  }
0x193: {  	p2 =	sne.s32 s19, $0x1  }
.Ltmp20:
0x194: {  	_ = 	snop;
	(pc) =	sbr.rel @!p2 .LBB2_24-.Ltmp20, $3  }
0x195: {  	_ =	sdelay $0x1  }
0x196: {  	_ =	swait.ge [sflag:s16], $0x80  }
0x197: {  	[sflag:s16] =	ssyncset.done $0x0;
	s19 =	sadd.s32 $0xFFFFFFFF, s19  }
.LBB2_23:
0x198: {  	p2 =	sne.s32 s19, $0x1;
	s19 =	sadd.s32 $0xFFFFFFFF, s19;
	[sflag:s16] =	ssyncadd.s32 $0xFFFFFF80  }
.Ltmp21:
0x199: {  	(pc) =	sbr.rel @p2 .LBB2_23-.Ltmp21, $3  }
0x19a: {  	_ =	sdelay $0x1  }
0x19b: {  	_ =	swait.ge [sflag:s16], $0x80  }
0x19c: {  	[sflag:s16] =	ssyncset.done $0x0  }
.Ltmp22:
0x19d: {  	_ = 	snop;
	(pc) =	sbr.rel .LBB2_24-.Ltmp22, $1  }
0x19e: {  	_ =	sdelay $0x3  }
.LBB2_26:
0x19f: {  	_ =	sfence.sel $0x180000  }
0x1a0: {  	[bflag:$0x0] =	sbarrier.arrive $0xFFFF  }
0x1a1: {  	p0 =	sne.s32 s0, $0x0;
	_ =	strace $0x90000047  }
0x1a2: {  	s0 =	sadd.s32 @!p0 $0x100000, s5;
	[bflag:$0x2] =	sbarrier.arrive $0xFFFF  }
0x1a3: {  	[sflag:s0] =	ssyncadd.tile.s32 @!p0 $0x1;
	_ =	shalt  }
.Lfunc_end2:
_tile_overlayer_lowered:
.L_overlay_start_2:
0x1a4: {  	(tag) =	ssettag $0x2  }
0x1a5: {  	s0 =	rddreg [dreg:$0x0];
	s2 =	stileid.u32  }
0x1a6: {  	s1 =	rddreg [dreg:$0x1];
	p0 =	sne.s32 s2, $0x0  }
0x1a7: {  	s3 =	rddreg [dreg:$0x2];
	[bflag:$0x3] =	sbarrier.arrive $0xFFFF;
	s2 =	simm.s32 @!p0 $0x1C04  }
0x1a8: {  	[timem:s3], [sflag:s2] =	dma.local @!p0 [hbm:s0], s1  }
0x1a9: {  	s0 =	simm.s32 @!p0 $0x4  }
0x1aa: {  	_ =	swait.ge @!p0 [sflag:s0], s1  }
0x1ab: {  	s1 =	ssub.s32 @!p0 $0x0, s1;
	[sflag:s0] =	ssyncset.done @!p0 $0x0  }
0x1ac: {  	[sflag:s0] =	ssyncadd.s32 @!p0 s1  }
0x1ad: {  	[bflag:$0x3] =	sbarrier.arrive $0xFFFF  }
0x1ae: {  	_ =	shalt  }

</sc_bundles>
